<compile_context>
chip_gen: v7x
topology: tpu7x:2x2x1
jax: 0.10.2.dev20260603
libtpu: 0.0.44.dev20260713+nightly
codegen_flags: <defaults>
</compile_context>

<pallas_src>
import functools

import jax
import jax.numpy as jnp
from jax import lax
from jax.experimental import pallas as pl
from jax.experimental.pallas import tpu as pltpu
from jax.experimental.pallas import tpu_sc as plsc

_P = 128
_BR = _P + 8
_BC = 2 * _P
_H = 1024
_NB = 8
_CB = 8
_NTILES = 32
_BAND = _H // _NTILES
_L = 16
_PW = _P + 2 * _L


def _pn_body(waves_ref, pn_ref):
    i = pl.program_id(0)

    @pl.when(i == 0)
    def _init():
        pn_ref[...] = jnp.zeros_like(pn_ref)

    w = waves_ref[:, 0]
    pn_ref[...] += jnp.sum(w * w, axis=0)


def _crop_mul_body(pos_ref, obj_ref, waves_ref, out_ref):
    i = pl.program_id(0)
    for k in range(_CB):
        b = i * _CB + k
        r = pos_ref[b, 0]
        c = pos_ref[b, 1]
        r8 = (r // 8) * 8
        t = r - r8
        c128 = (c // _P) * _P
        s = c - c128
        big = obj_ref[0, pl.ds(r8, _BR), pl.ds(c128, _BC)]
        rolled = pltpu.roll(pltpu.roll(big, _BR - t, axis=0), _BC - s, axis=1)
        out_ref[k, 0] = waves_ref[k, 0] * rolled[: _P, : _P]


def _sc_scatter_body(pnp_hbm, posrc_hbm, rng_hbm, on_hbm,
                     pnp_v, posrc_v, rng_v, band_v):
    cid = lax.axis_index("c")
    sid = lax.axis_index("s")
    wid = sid * 2 + cid
    y0 = wid * _BAND

    pltpu.sync_copy(pnp_hbm, pnp_v)
    pltpu.sync_copy(posrc_hbm, posrc_v)
    pltpu.sync_copy(rng_hbm, rng_v)

    zeros = jnp.zeros((_L,), jnp.float32)

    def zrow(i, _):
        for j in range(_H // _L):
            band_v[i, pl.ds(j * _L, _L)] = zeros
        return 0
    lax.fori_loop(0, _BAND, zrow, 0)

    lane = lax.iota(jnp.int32, _L)
    rv = rng_v[wid]
    bstart = rv[0]
    bend = rv[1]

    def pos_body(b, _):
        v = posrc_v[b]
        p0 = v[0]
        p1 = v[1]
        lo = jnp.maximum(p0, y0)
        hi = jnp.minimum(p0 + _P, y0 + _BAND)
        jlo = p1 // _L
        idxc = [(_L + jlo * _L - p1 + jj * _L) + lane for jj in range(9)]

        @plsc.parallel_loop(lo, hi, unroll=2)
        def _row_body(y, p0=p0, jlo=jlo, idxc=idxc):
            rb = (y - p0) * _PW
            yloc = y - y0
            for jj in range(9):
                val = plsc.load_gather(pnp_v, [rb + idxc[jj]])
                cs = pl.multiple_of((jlo + jj) * _L, _L)
                plsc.addupdate(band_v.at[yloc, pl.ds(cs, _L)], val)
        return 0

    lax.fori_loop(bstart, bend, pos_body, 0)
    pltpu.sync_copy(band_v, on_hbm.at[pl.ds(y0, _BAND)])


def _sc_scatter(pnp_flat, posrc, rngs):
    mesh = plsc.VectorSubcoreMesh(
        core_axis_name="c", subcore_axis_name="s", num_cores=2, num_subcores=16
    )
    return pl.kernel(
        _sc_scatter_body,
        out_type=jax.ShapeDtypeStruct((_H, _H), jnp.float32),
        mesh=mesh,
        compiler_params=pltpu.CompilerParams(needs_layout_passes=False),
        scratch_types=[
            pltpu.VMEM((_P * _PW,), jnp.float32),
            pltpu.VMEM((256, _L), jnp.int32),
            pltpu.VMEM((_NTILES, _L), jnp.int32),
            pltpu.VMEM((_BAND, _H), jnp.float32),
        ],
    )(pnp_flat, posrc, rngs)


@jax.jit
def kernel(obj, waves, pos):
    B = waves.shape[0]
    h, w = waves.shape[-2], waves.shape[-1]
    H, W = obj.shape[-2], obj.shape[-1]
    pos32 = pos.astype(jnp.int32)

    patch_norm = pl.pallas_call(
        _pn_body,
        grid=(B // _NB,),
        in_specs=[pl.BlockSpec((_NB, 1, h, w), lambda i: (i, 0, 0, 0))],
        out_specs=pl.BlockSpec((h, w), lambda i: (0, 0)),
        out_shape=jax.ShapeDtypeStruct((h, w), jnp.float32),
    )(waves)

    pn_padded = jnp.pad(patch_norm, ((0, 0), (_L, _L)))

    order = jnp.argsort(pos32[:, 0])
    pos_sorted = pos32[order]
    p0s = pos_sorted[:, 0]
    band_lo = jnp.arange(_NTILES, dtype=jnp.int32) * _BAND
    starts = jnp.searchsorted(p0s, band_lo - (h - 1), side="left")
    ends = jnp.searchsorted(p0s, band_lo + (_BAND - 1), side="right")
    rngs = jnp.stack(
        [starts.astype(jnp.int32), ends.astype(jnp.int32)], axis=1
    )
    rngs = jnp.pad(rngs, ((0, 0), (0, _L - 2)))
    posrc = jnp.pad(pos_sorted, ((0, 0), (0, _L - 2)))

    object_norm = _sc_scatter(pn_padded.reshape(h * _PW), posrc, rngs)

    grid_spec = pltpu.PrefetchScalarGridSpec(
        num_scalar_prefetch=1,
        grid=(B // _CB,),
        in_specs=[
            pl.BlockSpec((1, H, W), lambda i, p: (0, 0, 0)),
            pl.BlockSpec((_CB, 1, h, w), lambda i, p: (i, 0, 0, 0)),
        ],
        out_specs=pl.BlockSpec((_CB, 1, h, w), lambda i, p: (i, 0, 0, 0)),
    )
    out = pl.pallas_call(
        _crop_mul_body,
        grid_spec=grid_spec,
        out_shape=jax.ShapeDtypeStruct((B, 1, h, w), jnp.float32),
    )(pos32, obj, waves)

    return (out, object_norm)

# --- scband reference (transcript-rebuilt; emitter-appended) ---
"""Pipeline reference for scband-batch-crop-5059471475190 (READ-ONLY COPY).

The authoritative reference and input builder live on the scoring server;
editing this copy changes nothing except your own understanding.
"""

import jax, jax.numpy as jnp
import numpy as np


def setup_inputs(seed: int = 0) -> dict:
    key = jax.random.key(seed)
    k1, k2, k3 = jax.random.split(key, 3)
    obj = jax.random.normal(k1, (1, 1024, 1024), dtype=jnp.float32)
    waves = jax.random.normal(k2, (256, 1, 128, 128), dtype=jnp.float32)
    pos = jax.random.randint(k3, (256, 2), 0, 896, dtype=jnp.int64)
    return {"obj": obj, "waves": waves, "pos": pos}


def reference(obj, waves, pos):
    # obj: [n_obj_modes, H, W]; waves: [B, n_probe_modes, h, w]; pos: [B, 2] int
    B = waves.shape[0]
    h, w = waves.shape[-2], waves.shape[-1]
    H, W = obj.shape[-2], obj.shape[-1]

    # --- overlap_intensity: scatter-add summed probe intensity onto object_norm buffer ---
    # patch_norm = sum(|waves|^2, dim=0).squeeze() -> [h, w]
    patch_norm = jnp.sum(jnp.abs(waves) ** 2, axis=0).squeeze()
    rows = pos[:, 0][:, None, None] + jnp.arange(h)[None, :, None]  # [B, h, 1]
    cols = pos[:, 1][:, None, None] + jnp.arange(w)[None, None, :]  # [B, 1, w]
    rows = jnp.broadcast_to(rows, (B, h, w))
    cols = jnp.broadcast_to(cols, (B, h, w))
    object_norm = jnp.zeros((H, W), dtype=jnp.float32).at[rows, cols].add(
        jnp.broadcast_to(patch_norm[None, :, :], (B, h, w))
    )

    # --- batch_crop: gather object patches at each scan position, multiply by probe waves ---
    def crop_one(p):
        return jax.lax.dynamic_slice(obj, (0, p[0], p[1]), (obj.shape[0], h, w))

    patches = jax.vmap(crop_one)(pos)  # [B, n_obj_modes, h, w]
    out = waves * patches  # exit waves [B, modes, h, w]
    return (out, object_norm)

if __name__ == "__main__":
    import jax
    _d = setup_inputs()
    print(jax.jit(kernel)(*tuple(_d.values())))

</pallas_src>

<mosaic_0001>
#map = affine_map<(d0, d1) -> (0)>
#map1 = affine_map<(d0, d1) -> (0, 0)>
module attributes {stable_mosaic.version = 14 : i64} {
  func.func @_sc_scatter_body(%arg0: i32, %arg1: i32, %arg2: memref<20480xf32, #tpu.memory_space<hbm>>, %arg3: memref<256x16xi32, #tpu.memory_space<hbm>>, %arg4: memref<32x16xi32, #tpu.memory_space<hbm>>, %arg5: memref<1024x1024xf32, #tpu.memory_space<hbm>>, %arg6: memref<20480xf32, #tpu.memory_space<vmem>>, %arg7: memref<256x16xi32, #tpu.memory_space<vmem>>, %arg8: memref<32x16xi32, #tpu.memory_space<vmem>>, %arg9: memref<32x1024xf32, #tpu.memory_space<vmem>>) attributes {dimension_semantics = [#tpu.dimension_semantics<core_parallel>, #tpu.dimension_semantics<subcore_parallel>], iteration_bounds = array<i64: 2, 16>, scalar_prefetch = 0 : i64, scratch_operands = 4 : i64, tpu.core_type = #tpu.core_type<sc_vector_subcore>, window_params = [{transform_indices = #map}, {transform_indices = #map1}, {transform_indices = #map1}, {transform_indices = #map1}]} {
    %mul3A = arith.constant 2 : i32
    %mul3A_0 = arith.muli %arg1, %mul3A : i32
    %add3A = arith.addi %mul3A_0, %arg0 : i32
    %mul3A_1 = arith.constant 32 : i32
    %mul3A_2 = arith.muli %add3A, %mul3A_1 : i32
    "tpu.region"() ({
      %run_scoped3A = tpu.sem_alloc : memref<!tpu.dma_semaphore, #tpu.memory_space<semaphore_mem>>
      tpu.enqueue_dma source(%arg2 : memref<20480xf32, #tpu.memory_space<hbm>>) target(%arg6 : memref<20480xf32, #tpu.memory_space<vmem>>) target_semaphore(%run_scoped3A : memref<!tpu.dma_semaphore, #tpu.memory_space<semaphore_mem>>)
      tpu.wait_dma2 semaphore(%run_scoped3A : memref<!tpu.dma_semaphore, #tpu.memory_space<semaphore_mem>>) src(%arg2 : memref<20480xf32, #tpu.memory_space<hbm>>) dst(%arg6 : memref<20480xf32, #tpu.memory_space<vmem>>)
      tpu.yield
    }) : () -> ()
    "tpu.region"() ({
      %run_scoped3A = tpu.sem_alloc : memref<!tpu.dma_semaphore, #tpu.memory_space<semaphore_mem>>
      tpu.enqueue_dma source(%arg3 : memref<256x16xi32, #tpu.memory_space<hbm>>) target(%arg7 : memref<256x16xi32, #tpu.memory_space<vmem>>) target_semaphore(%run_scoped3A : memref<!tpu.dma_semaphore, #tpu.memory_space<semaphore_mem>>)
      tpu.wait_dma2 semaphore(%run_scoped3A : memref<!tpu.dma_semaphore, #tpu.memory_space<semaphore_mem>>) src(%arg3 : memref<256x16xi32, #tpu.memory_space<hbm>>) dst(%arg7 : memref<256x16xi32, #tpu.memory_space<vmem>>)
      tpu.yield
    }) : () -> ()
    "tpu.region"() ({
      %run_scoped3A = tpu.sem_alloc : memref<!tpu.dma_semaphore, #tpu.memory_space<semaphore_mem>>
      tpu.enqueue_dma source(%arg4 : memref<32x16xi32, #tpu.memory_space<hbm>>) target(%arg8 : memref<32x16xi32, #tpu.memory_space<vmem>>) target_semaphore(%run_scoped3A : memref<!tpu.dma_semaphore, #tpu.memory_space<semaphore_mem>>)
      tpu.wait_dma2 semaphore(%run_scoped3A : memref<!tpu.dma_semaphore, #tpu.memory_space<semaphore_mem>>) src(%arg4 : memref<32x16xi32, #tpu.memory_space<hbm>>) dst(%arg8 : memref<32x16xi32, #tpu.memory_space<vmem>>)
      tpu.yield
    }) : () -> ()
    %broadcast_in_dim3A = arith.constant 0.000000e+00 : f32
    %broadcast_in_dim3A_3 = vector.broadcast %broadcast_in_dim3A : f32 to vector<16xf32>
    %scan3A = arith.constant 0 : i32
    %scan3A_4 = arith.constant 0 : i32
    %scan3A_5 = arith.constant 32 : i32
    %scan3A_6 = arith.addi %scan3A_4, %scan3A_5 : i32
    %scan3A_7 = arith.constant 1 : i32
    %scan3A_8 = scf.for %scan3A_24 = %scan3A_4 to %scan3A_6 step %scan3A_7 iter_args(%scan3A_25 = %scan3A) -> (i32)  : i32 {
      %swap3A = arith.index_cast %scan3A_24 : i32 to index
      %swap3A_26 = arith.constant 0 : index
      %swap3A_27 = tpu.vector_load %arg9[%swap3A, %swap3A_26] {strides = array<i32>} : memref<32x1024xf32, #tpu.memory_space<vmem>>, vector<16xf32>,
      tpu.vector_store %arg9[%swap3A, %swap3A_26], %broadcast_in_dim3A_3 {strides = array<i32>} : memref<32x1024xf32, #tpu.memory_space<vmem>>, vector<16xf32>,
      %swap3A_28 = arith.index_cast %scan3A_24 : i32 to index
      %swap3A_29 = arith.constant 16 : index
      %swap3A_30 = tpu.vector_load %arg9[%swap3A_28, %swap3A_29] {strides = array<i32>} : memref<32x1024xf32, #tpu.memory_space<vmem>>, vector<16xf32>,
      tpu.vector_store %arg9[%swap3A_28, %swap3A_29], %broadcast_in_dim3A_3 {strides = array<i32>} : memref<32x1024xf32, #tpu.memory_space<vmem>>, vector<16xf32>,
      %swap3A_31 = arith.index_cast %scan3A_24 : i32 to index
      %swap3A_32 = arith.constant 32 : index
      %swap3A_33 = tpu.vector_load %arg9[%swap3A_31, %swap3A_32] {strides = array<i32>} : memref<32x1024xf32, #tpu.memory_space<vmem>>, vector<16xf32>,
      tpu.vector_store %arg9[%swap3A_31, %swap3A_32], %broadcast_in_dim3A_3 {strides = array<i32>} : memref<32x1024xf32, #tpu.memory_space<vmem>>, vector<16xf32>,
      %swap3A_34 = arith.index_cast %scan3A_24 : i32 to index
      %swap3A_35 = arith.constant 48 : index
      %swap3A_36 = tpu.vector_load %arg9[%swap3A_34, %swap3A_35] {strides = array<i32>} : memref<32x1024xf32, #tpu.memory_space<vmem>>, vector<16xf32>,
      tpu.vector_store %arg9[%swap3A_34, %swap3A_35], %broadcast_in_dim3A_3 {strides = array<i32>} : memref<32x1024xf32, #tpu.memory_space<vmem>>, vector<16xf32>,
      %swap3A_37 = arith.index_cast %scan3A_24 : i32 to index
      %swap3A_38 = arith.constant 64 : index
      %swap3A_39 = tpu.vector_load %arg9[%swap3A_37, %swap3A_38] {strides = array<i32>} : memref<32x1024xf32, #tpu.memory_space<vmem>>, vector<16xf32>,
      tpu.vector_store %arg9[%swap3A_37, %swap3A_38], %broadcast_in_dim3A_3 {strides = array<i32>} : memref<32x1024xf32, #tpu.memory_space<vmem>>, vector<16xf32>,
      %swap3A_40 = arith.index_cast %scan3A_24 : i32 to index
      %swap3A_41 = arith.constant 80 : index
      %swap3A_42 = tpu.vector_load %arg9[%swap3A_40, %swap3A_41] {strides = array<i32>} : memref<32x1024xf32, #tpu.memory_space<vmem>>, vector<16xf32>,
      tpu.vector_store %arg9[%swap3A_40, %swap3A_41], %broadcast_in_dim3A_3 {strides = array<i32>} : memref<32x1024xf32, #tpu.memory_space<vmem>>, vector<16xf32>,
      %swap3A_43 = arith.index_cast %scan3A_24 : i32 to index
      %swap3A_44 = arith.constant 96 : index
      %swap3A_45 = tpu.vector_load %arg9[%swap3A_43, %swap3A_44] {strides = array<i32>} : memref<32x1024xf32, #tpu.memory_space<vmem>>, vector<16xf32>,
      tpu.vector_store %arg9[%swap3A_43, %swap3A_44], %broadcast_in_dim3A_3 {strides = array<i32>} : memref<32x1024xf32, #tpu.memory_space<vmem>>, vector<16xf32>,
      %swap3A_46 = arith.index_cast %scan3A_24 : i32 to index
      %swap3A_47 = arith.constant 112 : index
      %swap3A_48 = tpu.vector_load %arg9[%swap3A_46, %swap3A_47] {strides = array<i32>} : memref<32x1024xf32, #tpu.memory_space<vmem>>, vector<16xf32>,
      tpu.vector_store %arg9[%swap3A_46, %swap3A_47], %broadcast_in_dim3A_3 {strides = array<i32>} : memref<32x1024xf32, #tpu.memory_space<vmem>>, vector<16xf32>,
      %swap3A_49 = arith.index_cast %scan3A_24 : i32 to index
      %swap3A_50 = arith.constant 128 : index
      %swap3A_51 = tpu.vector_load %arg9[%swap3A_49, %swap3A_50] {strides = array<i32>} : memref<32x1024xf32, #tpu.memory_space<vmem>>, vector<16xf32>,
      tpu.vector_store %arg9[%swap3A_49, %swap3A_50], %broadcast_in_dim3A_3 {strides = array<i32>} : memref<32x1024xf32, #tpu.memory_space<vmem>>, vector<16xf32>,
      %swap3A_52 = arith.index_cast %scan3A_24 : i32 to index
      %swap3A_53 = arith.constant 144 : index
      %swap3A_54 = tpu.vector_load %arg9[%swap3A_52, %swap3A_53] {strides = array<i32>} : memref<32x1024xf32, #tpu.memory_space<vmem>>, vector<16xf32>,
      tpu.vector_store %arg9[%swap3A_52, %swap3A_53], %broadcast_in_dim3A_3 {strides = array<i32>} : memref<32x1024xf32, #tpu.memory_space<vmem>>, vector<16xf32>,
      %swap3A_55 = arith.index_cast %scan3A_24 : i32 to index
      %swap3A_56 = arith.constant 160 : index
      %swap3A_57 = tpu.vector_load %arg9[%swap3A_55, %swap3A_56] {strides = array<i32>} : memref<32x1024xf32, #tpu.memory_space<vmem>>, vector<16xf32>,
      tpu.vector_store %arg9[%swap3A_55, %swap3A_56], %broadcast_in_dim3A_3 {strides = array<i32>} : memref<32x1024xf32, #tpu.memory_space<vmem>>, vector<16xf32>,
      %swap3A_58 = arith.index_cast %scan3A_24 : i32 to index
      %swap3A_59 = arith.constant 176 : index
      %swap3A_60 = tpu.vector_load %arg9[%swap3A_58, %swap3A_59] {strides = array<i32>} : memref<32x1024xf32, #tpu.memory_space<vmem>>, vector<16xf32>,
      tpu.vector_store %arg9[%swap3A_58, %swap3A_59], %broadcast_in_dim3A_3 {strides = array<i32>} : memref<32x1024xf32, #tpu.memory_space<vmem>>, vector<16xf32>,
      %swap3A_61 = arith.index_cast %scan3A_24 : i32 to index
      %swap3A_62 = arith.constant 192 : index
      %swap3A_63 = tpu.vector_load %arg9[%swap3A_61, %swap3A_62] {strides = array<i32>} : memref<32x1024xf32, #tpu.memory_space<vmem>>, vector<16xf32>,
      tpu.vector_store %arg9[%swap3A_61, %swap3A_62], %broadcast_in_dim3A_3 {strides = array<i32>} : memref<32x1024xf32, #tpu.memory_space<vmem>>, vector<16xf32>,
      %swap3A_64 = arith.index_cast %scan3A_24 : i32 to index
      %swap3A_65 = arith.constant 208 : index
      %swap3A_66 = tpu.vector_load %arg9[%swap3A_64, %swap3A_65] {strides = array<i32>} : memref<32x1024xf32, #tpu.memory_space<vmem>>, vector<16xf32>,
      tpu.vector_store %arg9[%swap3A_64, %swap3A_65], %broadcast_in_dim3A_3 {strides = array<i32>} : memref<32x1024xf32, #tpu.memory_space<vmem>>, vector<16xf32>,
      %swap3A_67 = arith.index_cast %scan3A_24 : i32 to index
      %swap3A_68 = arith.constant 224 : index
      %swap3A_69 = tpu.vector_load %arg9[%swap3A_67, %swap3A_68] {strides = array<i32>} : memref<32x1024xf32, #tpu.memory_space<vmem>>, vector<16xf32>,
      tpu.vector_store %arg9[%swap3A_67, %swap3A_68], %broadcast_in_dim3A_3 {strides = array<i32>} : memref<32x1024xf32, #tpu.memory_space<vmem>>, vector<16xf32>,
      %swap3A_70 = arith.index_cast %scan3A_24 : i32 to index
      %swap3A_71 = arith.constant 240 : index
      %swap3A_72 = tpu.vector_load %arg9[%swap3A_70, %swap3A_71] {strides = array<i32>} : memref<32x1024xf32, #tpu.memory_space<vmem>>, vector<16xf32>,
      tpu.vector_store %arg9[%swap3A_70, %swap3A_71], %broadcast_in_dim3A_3 {strides = array<i32>} : memref<32x1024xf32, #tpu.memory_space<vmem>>, vector<16xf32>,
      %swap3A_73 = arith.index_cast %scan3A_24 : i32 to index
      %swap3A_74 = arith.constant 256 : index
      %swap3A_75 = tpu.vector_load %arg9[%swap3A_73, %swap3A_74] {strides = array<i32>} : memref<32x1024xf32, #tpu.memory_space<vmem>>, vector<16xf32>,
      tpu.vector_store %arg9[%swap3A_73, %swap3A_74], %broadcast_in_dim3A_3 {strides = array<i32>} : memref<32x1024xf32, #tpu.memory_space<vmem>>, vector<16xf32>,
      %swap3A_76 = arith.index_cast %scan3A_24 : i32 to index
      %swap3A_77 = arith.constant 272 : index
      %swap3A_78 = tpu.vector_load %arg9[%swap3A_76, %swap3A_77] {strides = array<i32>} : memref<32x1024xf32, #tpu.memory_space<vmem>>, vector<16xf32>,
      tpu.vector_store %arg9[%swap3A_76, %swap3A_77], %broadcast_in_dim3A_3 {strides = array<i32>} : memref<32x1024xf32, #tpu.memory_space<vmem>>, vector<16xf32>,
      %swap3A_79 = arith.index_cast %scan3A_24 : i32 to index
      %swap3A_80 = arith.constant 288 : index
      %swap3A_81 = tpu.vector_load %arg9[%swap3A_79, %swap3A_80] {strides = array<i32>} : memref<32x1024xf32, #tpu.memory_space<vmem>>, vector<16xf32>,
      tpu.vector_store %arg9[%swap3A_79, %swap3A_80], %broadcast_in_dim3A_3 {strides = array<i32>} : memref<32x1024xf32, #tpu.memory_space<vmem>>, vector<16xf32>,
      %swap3A_82 = arith.index_cast %scan3A_24 : i32 to index
      %swap3A_83 = arith.constant 304 : index
      %swap3A_84 = tpu.vector_load %arg9[%swap3A_82, %swap3A_83] {strides = array<i32>} : memref<32x1024xf32, #tpu.memory_space<vmem>>, vector<16xf32>,
      tpu.vector_store %arg9[%swap3A_82, %swap3A_83], %broadcast_in_dim3A_3 {strides = array<i32>} : memref<32x1024xf32, #tpu.memory_space<vmem>>, vector<16xf32>,
      %swap3A_85 = arith.index_cast %scan3A_24 : i32 to index
      %swap3A_86 = arith.constant 320 : index
      %swap3A_87 = tpu.vector_load %arg9[%swap3A_85, %swap3A_86] {strides = array<i32>} : memref<32x1024xf32, #tpu.memory_space<vmem>>, vector<16xf32>,
      tpu.vector_store %arg9[%swap3A_85, %swap3A_86], %broadcast_in_dim3A_3 {strides = array<i32>} : memref<32x1024xf32, #tpu.memory_space<vmem>>, vector<16xf32>,
      %swap3A_88 = arith.index_cast %scan3A_24 : i32 to index
      %swap3A_89 = arith.constant 336 : index
      %swap3A_90 = tpu.vector_load %arg9[%swap3A_88, %swap3A_89] {strides = array<i32>} : memref<32x1024xf32, #tpu.memory_space<vmem>>, vector<16xf32>,
      tpu.vector_store %arg9[%swap3A_88, %swap3A_89], %broadcast_in_dim3A_3 {strides = array<i32>} : memref<32x1024xf32, #tpu.memory_space<vmem>>, vector<16xf32>,
      %swap3A_91 = arith.index_cast %scan3A_24 : i32 to index
      %swap3A_92 = arith.constant 352 : index
      %swap3A_93 = tpu.vector_load %arg9[%swap3A_91, %swap3A_92] {strides = array<i32>} : memref<32x1024xf32, #tpu.memory_space<vmem>>, vector<16xf32>,
      tpu.vector_store %arg9[%swap3A_91, %swap3A_92], %broadcast_in_dim3A_3 {strides = array<i32>} : memref<32x1024xf32, #tpu.memory_space<vmem>>, vector<16xf32>,
      %swap3A_94 = arith.index_cast %scan3A_24 : i32 to index
      %swap3A_95 = arith.constant 368 : index
      %swap3A_96 = tpu.vector_load %arg9[%swap3A_94, %swap3A_95] {strides = array<i32>} : memref<32x1024xf32, #tpu.memory_space<vmem>>, vector<16xf32>,
      tpu.vector_store %arg9[%swap3A_94, %swap3A_95], %broadcast_in_dim3A_3 {strides = array<i32>} : memref<32x1024xf32, #tpu.memory_space<vmem>>, vector<16xf32>,
      %swap3A_97 = arith.index_cast %scan3A_24 : i32 to index
      %swap3A_98 = arith.constant 384 : index
      %swap3A_99 = tpu.vector_load %arg9[%swap3A_97, %swap3A_98] {strides = array<i32>} : memref<32x1024xf32, #tpu.memory_space<vmem>>, vector<16xf32>,
      tpu.vector_store %arg9[%swap3A_97, %swap3A_98], %broadcast_in_dim3A_3 {strides = array<i32>} : memref<32x1024xf32, #tpu.memory_space<vmem>>, vector<16xf32>,
      %swap3A_100 = arith.index_cast %scan3A_24 : i32 to index
      %swap3A_101 = arith.constant 400 : index
      %swap3A_102 = tpu.vector_load %arg9[%swap3A_100, %swap3A_101] {strides = array<i32>} : memref<32x1024xf32, #tpu.memory_space<vmem>>, vector<16xf32>,
      tpu.vector_store %arg9[%swap3A_100, %swap3A_101], %broadcast_in_dim3A_3 {strides = array<i32>} : memref<32x1024xf32, #tpu.memory_space<vmem>>, vector<16xf32>,
      %swap3A_103 = arith.index_cast %scan3A_24 : i32 to index
      %swap3A_104 = arith.constant 416 : index
      %swap3A_105 = tpu.vector_load %arg9[%swap3A_103, %swap3A_104] {strides = array<i32>} : memref<32x1024xf32, #tpu.memory_space<vmem>>, vector<16xf32>,
      tpu.vector_store %arg9[%swap3A_103, %swap3A_104], %broadcast_in_dim3A_3 {strides = array<i32>} : memref<32x1024xf32, #tpu.memory_space<vmem>>, vector<16xf32>,
      %swap3A_106 = arith.index_cast %scan3A_24 : i32 to index
      %swap3A_107 = arith.constant 432 : index
      %swap3A_108 = tpu.vector_load %arg9[%swap3A_106, %swap3A_107] {strides = array<i32>} : memref<32x1024xf32, #tpu.memory_space<vmem>>, vector<16xf32>,
      tpu.vector_store %arg9[%swap3A_106, %swap3A_107], %broadcast_in_dim3A_3 {strides = array<i32>} : memref<32x1024xf32, #tpu.memory_space<vmem>>, vector<16xf32>,
      %swap3A_109 = arith.index_cast %scan3A_24 : i32 to index
      %swap3A_110 = arith.constant 448 : index
      %swap3A_111 = tpu.vector_load %arg9[%swap3A_109, %swap3A_110] {strides = array<i32>} : memref<32x1024xf32, #tpu.memory_space<vmem>>, vector<16xf32>,
      tpu.vector_store %arg9[%swap3A_109, %swap3A_110], %broadcast_in_dim3A_3 {strides = array<i32>} : memref<32x1024xf32, #tpu.memory_space<vmem>>, vector<16xf32>,
      %swap3A_112 = arith.index_cast %scan3A_24 : i32 to index
      %swap3A_113 = arith.constant 464 : index
      %swap3A_114 = tpu.vector_load %arg9[%swap3A_112, %swap3A_113] {strides = array<i32>} : memref<32x1024xf32, #tpu.memory_space<vmem>>, vector<16xf32>,
      tpu.vector_store %arg9[%swap3A_112, %swap3A_113], %broadcast_in_dim3A_3 {strides = array<i32>} : memref<32x1024xf32, #tpu.memory_space<vmem>>, vector<16xf32>,
      %swap3A_115 = arith.index_cast %scan3A_24 : i32 to index
      %swap3A_116 = arith.constant 480 : index
      %swap3A_117 = tpu.vector_load %arg9[%swap3A_115, %swap3A_116] {strides = array<i32>} : memref<32x1024xf32, #tpu.memory_space<vmem>>, vector<16xf32>,
      tpu.vector_store %arg9[%swap3A_115, %swap3A_116], %broadcast_in_dim3A_3 {strides = array<i32>} : memref<32x1024xf32, #tpu.memory_space<vmem>>, vector<16xf32>,
      %swap3A_118 = arith.index_cast %scan3A_24 : i32 to index
      %swap3A_119 = arith.constant 496 : index
      %swap3A_120 = tpu.vector_load %arg9[%swap3A_118, %swap3A_119] {strides = array<i32>} : memref<32x1024xf32, #tpu.memory_space<vmem>>, vector<16xf32>,
      tpu.vector_store %arg9[%swap3A_118, %swap3A_119], %broadcast_in_dim3A_3 {strides = array<i32>} : memref<32x1024xf32, #tpu.memory_space<vmem>>, vector<16xf32>,
      %swap3A_121 = arith.index_cast %scan3A_24 : i32 to index
      %swap3A_122 = arith.constant 512 : index
      %swap3A_123 = tpu.vector_load %arg9[%swap3A_121, %swap3A_122] {strides = array<i32>} : memref<32x1024xf32, #tpu.memory_space<vmem>>, vector<16xf32>,
      tpu.vector_store %arg9[%swap3A_121, %swap3A_122], %broadcast_in_dim3A_3 {strides = array<i32>} : memref<32x1024xf32, #tpu.memory_space<vmem>>, vector<16xf32>,
      %swap3A_124 = arith.index_cast %scan3A_24 : i32 to index
      %swap3A_125 = arith.constant 528 : index
      %swap3A_126 = tpu.vector_load %arg9[%swap3A_124, %swap3A_125] {strides = array<i32>} : memref<32x1024xf32, #tpu.memory_space<vmem>>, vector<16xf32>,
      tpu.vector_store %arg9[%swap3A_124, %swap3A_125], %broadcast_in_dim3A_3 {strides = array<i32>} : memref<32x1024xf32, #tpu.memory_space<vmem>>, vector<16xf32>,
      %swap3A_127 = arith.index_cast %scan3A_24 : i32 to index
      %swap3A_128 = arith.constant 544 : index
      %swap3A_129 = tpu.vector_load %arg9[%swap3A_127, %swap3A_128] {strides = array<i32>} : memref<32x1024xf32, #tpu.memory_space<vmem>>, vector<16xf32>,
      tpu.vector_store %arg9[%swap3A_127, %swap3A_128], %broadcast_in_dim3A_3 {strides = array<i32>} : memref<32x1024xf32, #tpu.memory_space<vmem>>, vector<16xf32>,
      %swap3A_130 = arith.index_cast %scan3A_24 : i32 to index
      %swap3A_131 = arith.constant 560 : index
      %swap3A_132 = tpu.vector_load %arg9[%swap3A_130, %swap3A_131] {strides = array<i32>} : memref<32x1024xf32, #tpu.memory_space<vmem>>, vector<16xf32>,
      tpu.vector_store %arg9[%swap3A_130, %swap3A_131], %broadcast_in_dim3A_3 {strides = array<i32>} : memref<32x1024xf32, #tpu.memory_space<vmem>>, vector<16xf32>,
      %swap3A_133 = arith.index_cast %scan3A_24 : i32 to index
      %swap3A_134 = arith.constant 576 : index
      %swap3A_135 = tpu.vector_load %arg9[%swap3A_133, %swap3A_134] {strides = array<i32>} : memref<32x1024xf32, #tpu.memory_space<vmem>>, vector<16xf32>,
      tpu.vector_store %arg9[%swap3A_133, %swap3A_134], %broadcast_in_dim3A_3 {strides = array<i32>} : memref<32x1024xf32, #tpu.memory_space<vmem>>, vector<16xf32>,
      %swap3A_136 = arith.index_cast %scan3A_24 : i32 to index
      %swap3A_137 = arith.constant 592 : index
      %swap3A_138 = tpu.vector_load %arg9[%swap3A_136, %swap3A_137] {strides = array<i32>} : memref<32x1024xf32, #tpu.memory_space<vmem>>, vector<16xf32>,
      tpu.vector_store %arg9[%swap3A_136, %swap3A_137], %broadcast_in_dim3A_3 {strides = array<i32>} : memref<32x1024xf32, #tpu.memory_space<vmem>>, vector<16xf32>,
      %swap3A_139 = arith.index_cast %scan3A_24 : i32 to index
      %swap3A_140 = arith.constant 608 : index
      %swap3A_141 = tpu.vector_load %arg9[%swap3A_139, %swap3A_140] {strides = array<i32>} : memref<32x1024xf32, #tpu.memory_space<vmem>>, vector<16xf32>,
      tpu.vector_store %arg9[%swap3A_139, %swap3A_140], %broadcast_in_dim3A_3 {strides = array<i32>} : memref<32x1024xf32, #tpu.memory_space<vmem>>, vector<16xf32>,
      %swap3A_142 = arith.index_cast %scan3A_24 : i32 to index
      %swap3A_143 = arith.constant 624 : index
      %swap3A_144 = tpu.vector_load %arg9[%swap3A_142, %swap3A_143] {strides = array<i32>} : memref<32x1024xf32, #tpu.memory_space<vmem>>, vector<16xf32>,
      tpu.vector_store %arg9[%swap3A_142, %swap3A_143], %broadcast_in_dim3A_3 {strides = array<i32>} : memref<32x1024xf32, #tpu.memory_space<vmem>>, vector<16xf32>,
      %swap3A_145 = arith.index_cast %scan3A_24 : i32 to index
      %swap3A_146 = arith.constant 640 : index
      %swap3A_147 = tpu.vector_load %arg9[%swap3A_145, %swap3A_146] {strides = array<i32>} : memref<32x1024xf32, #tpu.memory_space<vmem>>, vector<16xf32>,
      tpu.vector_store %arg9[%swap3A_145, %swap3A_146], %broadcast_in_dim3A_3 {strides = array<i32>} : memref<32x1024xf32, #tpu.memory_space<vmem>>, vector<16xf32>,
      %swap3A_148 = arith.index_cast %scan3A_24 : i32 to index
      %swap3A_149 = arith.constant 656 : index
      %swap3A_150 = tpu.vector_load %arg9[%swap3A_148, %swap3A_149] {strides = array<i32>} : memref<32x1024xf32, #tpu.memory_space<vmem>>, vector<16xf32>,
      tpu.vector_store %arg9[%swap3A_148, %swap3A_149], %broadcast_in_dim3A_3 {strides = array<i32>} : memref<32x1024xf32, #tpu.memory_space<vmem>>, vector<16xf32>,
      %swap3A_151 = arith.index_cast %scan3A_24 : i32 to index
      %swap3A_152 = arith.constant 672 : index
      %swap3A_153 = tpu.vector_load %arg9[%swap3A_151, %swap3A_152] {strides = array<i32>} : memref<32x1024xf32, #tpu.memory_space<vmem>>, vector<16xf32>,
      tpu.vector_store %arg9[%swap3A_151, %swap3A_152], %broadcast_in_dim3A_3 {strides = array<i32>} : memref<32x1024xf32, #tpu.memory_space<vmem>>, vector<16xf32>,
      %swap3A_154 = arith.index_cast %scan3A_24 : i32 to index
      %swap3A_155 = arith.constant 688 : index
      %swap3A_156 = tpu.vector_load %arg9[%swap3A_154, %swap3A_155] {strides = array<i32>} : memref<32x1024xf32, #tpu.memory_space<vmem>>, vector<16xf32>,
      tpu.vector_store %arg9[%swap3A_154, %swap3A_155], %broadcast_in_dim3A_3 {strides = array<i32>} : memref<32x1024xf32, #tpu.memory_space<vmem>>, vector<16xf32>,
      %swap3A_157 = arith.index_cast %scan3A_24 : i32 to index
      %swap3A_158 = arith.constant 704 : index
      %swap3A_159 = tpu.vector_load %arg9[%swap3A_157, %swap3A_158] {strides = array<i32>} : memref<32x1024xf32, #tpu.memory_space<vmem>>, vector<16xf32>,
      tpu.vector_store %arg9[%swap3A_157, %swap3A_158], %broadcast_in_dim3A_3 {strides = array<i32>} : memref<32x1024xf32, #tpu.memory_space<vmem>>, vector<16xf32>,
      %swap3A_160 = arith.index_cast %scan3A_24 : i32 to index
      %swap3A_161 = arith.constant 720 : index
      %swap3A_162 = tpu.vector_load %arg9[%swap3A_160, %swap3A_161] {strides = array<i32>} : memref<32x1024xf32, #tpu.memory_space<vmem>>, vector<16xf32>,
      tpu.vector_store %arg9[%swap3A_160, %swap3A_161], %broadcast_in_dim3A_3 {strides = array<i32>} : memref<32x1024xf32, #tpu.memory_space<vmem>>, vector<16xf32>,
      %swap3A_163 = arith.index_cast %scan3A_24 : i32 to index
      %swap3A_164 = arith.constant 736 : index
      %swap3A_165 = tpu.vector_load %arg9[%swap3A_163, %swap3A_164] {strides = array<i32>} : memref<32x1024xf32, #tpu.memory_space<vmem>>, vector<16xf32>,
      tpu.vector_store %arg9[%swap3A_163, %swap3A_164], %broadcast_in_dim3A_3 {strides = array<i32>} : memref<32x1024xf32, #tpu.memory_space<vmem>>, vector<16xf32>,
      %swap3A_166 = arith.index_cast %scan3A_24 : i32 to index
      %swap3A_167 = arith.constant 752 : index
      %swap3A_168 = tpu.vector_load %arg9[%swap3A_166, %swap3A_167] {strides = array<i32>} : memref<32x1024xf32, #tpu.memory_space<vmem>>, vector<16xf32>,
      tpu.vector_store %arg9[%swap3A_166, %swap3A_167], %broadcast_in_dim3A_3 {strides = array<i32>} : memref<32x1024xf32, #tpu.memory_space<vmem>>, vector<16xf32>,
      %swap3A_169 = arith.index_cast %scan3A_24 : i32 to index
      %swap3A_170 = arith.constant 768 : index
      %swap3A_171 = tpu.vector_load %arg9[%swap3A_169, %swap3A_170] {strides = array<i32>} : memref<32x1024xf32, #tpu.memory_space<vmem>>, vector<16xf32>,
      tpu.vector_store %arg9[%swap3A_169, %swap3A_170], %broadcast_in_dim3A_3 {strides = array<i32>} : memref<32x1024xf32, #tpu.memory_space<vmem>>, vector<16xf32>,
      %swap3A_172 = arith.index_cast %scan3A_24 : i32 to index
      %swap3A_173 = arith.constant 784 : index
      %swap3A_174 = tpu.vector_load %arg9[%swap3A_172, %swap3A_173] {strides = array<i32>} : memref<32x1024xf32, #tpu.memory_space<vmem>>, vector<16xf32>,
      tpu.vector_store %arg9[%swap3A_172, %swap3A_173], %broadcast_in_dim3A_3 {strides = array<i32>} : memref<32x1024xf32, #tpu.memory_space<vmem>>, vector<16xf32>,
      %swap3A_175 = arith.index_cast %scan3A_24 : i32 to index
      %swap3A_176 = arith.constant 800 : index
      %swap3A_177 = tpu.vector_load %arg9[%swap3A_175, %swap3A_176] {strides = array<i32>} : memref<32x1024xf32, #tpu.memory_space<vmem>>, vector<16xf32>,
      tpu.vector_store %arg9[%swap3A_175, %swap3A_176], %broadcast_in_dim3A_3 {strides = array<i32>} : memref<32x1024xf32, #tpu.memory_space<vmem>>, vector<16xf32>,
      %swap3A_178 = arith.index_cast %scan3A_24 : i32 to index
      %swap3A_179 = arith.constant 816 : index
      %swap3A_180 = tpu.vector_load %arg9[%swap3A_178, %swap3A_179] {strides = array<i32>} : memref<32x1024xf32, #tpu.memory_space<vmem>>, vector<16xf32>,
      tpu.vector_store %arg9[%swap3A_178, %swap3A_179], %broadcast_in_dim3A_3 {strides = array<i32>} : memref<32x1024xf32, #tpu.memory_space<vmem>>, vector<16xf32>,
      %swap3A_181 = arith.index_cast %scan3A_24 : i32 to index
      %swap3A_182 = arith.constant 832 : index
      %swap3A_183 = tpu.vector_load %arg9[%swap3A_181, %swap3A_182] {strides = array<i32>} : memref<32x1024xf32, #tpu.memory_space<vmem>>, vector<16xf32>,
      tpu.vector_store %arg9[%swap3A_181, %swap3A_182], %broadcast_in_dim3A_3 {strides = array<i32>} : memref<32x1024xf32, #tpu.memory_space<vmem>>, vector<16xf32>,
      %swap3A_184 = arith.index_cast %scan3A_24 : i32 to index
      %swap3A_185 = arith.constant 848 : index
      %swap3A_186 = tpu.vector_load %arg9[%swap3A_184, %swap3A_185] {strides = array<i32>} : memref<32x1024xf32, #tpu.memory_space<vmem>>, vector<16xf32>,
      tpu.vector_store %arg9[%swap3A_184, %swap3A_185], %broadcast_in_dim3A_3 {strides = array<i32>} : memref<32x1024xf32, #tpu.memory_space<vmem>>, vector<16xf32>,
      %swap3A_187 = arith.index_cast %scan3A_24 : i32 to index
      %swap3A_188 = arith.constant 864 : index
      %swap3A_189 = tpu.vector_load %arg9[%swap3A_187, %swap3A_188] {strides = array<i32>} : memref<32x1024xf32, #tpu.memory_space<vmem>>, vector<16xf32>,
      tpu.vector_store %arg9[%swap3A_187, %swap3A_188], %broadcast_in_dim3A_3 {strides = array<i32>} : memref<32x1024xf32, #tpu.memory_space<vmem>>, vector<16xf32>,
      %swap3A_190 = arith.index_cast %scan3A_24 : i32 to index
      %swap3A_191 = arith.constant 880 : index
      %swap3A_192 = tpu.vector_load %arg9[%swap3A_190, %swap3A_191] {strides = array<i32>} : memref<32x1024xf32, #tpu.memory_space<vmem>>, vector<16xf32>,
      tpu.vector_store %arg9[%swap3A_190, %swap3A_191], %broadcast_in_dim3A_3 {strides = array<i32>} : memref<32x1024xf32, #tpu.memory_space<vmem>>, vector<16xf32>,
      %swap3A_193 = arith.index_cast %scan3A_24 : i32 to index
      %swap3A_194 = arith.constant 896 : index
      %swap3A_195 = tpu.vector_load %arg9[%swap3A_193, %swap3A_194] {strides = array<i32>} : memref<32x1024xf32, #tpu.memory_space<vmem>>, vector<16xf32>,
      tpu.vector_store %arg9[%swap3A_193, %swap3A_194], %broadcast_in_dim3A_3 {strides = array<i32>} : memref<32x1024xf32, #tpu.memory_space<vmem>>, vector<16xf32>,
      %swap3A_196 = arith.index_cast %scan3A_24 : i32 to index
      %swap3A_197 = arith.constant 912 : index
      %swap3A_198 = tpu.vector_load %arg9[%swap3A_196, %swap3A_197] {strides = array<i32>} : memref<32x1024xf32, #tpu.memory_space<vmem>>, vector<16xf32>,
      tpu.vector_store %arg9[%swap3A_196, %swap3A_197], %broadcast_in_dim3A_3 {strides = array<i32>} : memref<32x1024xf32, #tpu.memory_space<vmem>>, vector<16xf32>,
      %swap3A_199 = arith.index_cast %scan3A_24 : i32 to index
      %swap3A_200 = arith.constant 928 : index
      %swap3A_201 = tpu.vector_load %arg9[%swap3A_199, %swap3A_200] {strides = array<i32>} : memref<32x1024xf32, #tpu.memory_space<vmem>>, vector<16xf32>,
      tpu.vector_store %arg9[%swap3A_199, %swap3A_200], %broadcast_in_dim3A_3 {strides = array<i32>} : memref<32x1024xf32, #tpu.memory_space<vmem>>, vector<16xf32>,
      %swap3A_202 = arith.index_cast %scan3A_24 : i32 to index
      %swap3A_203 = arith.constant 944 : index
      %swap3A_204 = tpu.vector_load %arg9[%swap3A_202, %swap3A_203] {strides = array<i32>} : memref<32x1024xf32, #tpu.memory_space<vmem>>, vector<16xf32>,
      tpu.vector_store %arg9[%swap3A_202, %swap3A_203], %broadcast_in_dim3A_3 {strides = array<i32>} : memref<32x1024xf32, #tpu.memory_space<vmem>>, vector<16xf32>,
      %swap3A_205 = arith.index_cast %scan3A_24 : i32 to index
      %swap3A_206 = arith.constant 960 : index
      %swap3A_207 = tpu.vector_load %arg9[%swap3A_205, %swap3A_206] {strides = array<i32>} : memref<32x1024xf32, #tpu.memory_space<vmem>>, vector<16xf32>,
      tpu.vector_store %arg9[%swap3A_205, %swap3A_206], %broadcast_in_dim3A_3 {strides = array<i32>} : memref<32x1024xf32, #tpu.memory_space<vmem>>, vector<16xf32>,
      %swap3A_208 = arith.index_cast %scan3A_24 : i32 to index
      %swap3A_209 = arith.constant 976 : index
      %swap3A_210 = tpu.vector_load %arg9[%swap3A_208, %swap3A_209] {strides = array<i32>} : memref<32x1024xf32, #tpu.memory_space<vmem>>, vector<16xf32>,
      tpu.vector_store %arg9[%swap3A_208, %swap3A_209], %broadcast_in_dim3A_3 {strides = array<i32>} : memref<32x1024xf32, #tpu.memory_space<vmem>>, vector<16xf32>,
      %swap3A_211 = arith.index_cast %scan3A_24 : i32 to index
      %swap3A_212 = arith.constant 992 : index
      %swap3A_213 = tpu.vector_load %arg9[%swap3A_211, %swap3A_212] {strides = array<i32>} : memref<32x1024xf32, #tpu.memory_space<vmem>>, vector<16xf32>,
      tpu.vector_store %arg9[%swap3A_211, %swap3A_212], %broadcast_in_dim3A_3 {strides = array<i32>} : memref<32x1024xf32, #tpu.memory_space<vmem>>, vector<16xf32>,
      %swap3A_214 = arith.index_cast %scan3A_24 : i32 to index
      %swap3A_215 = arith.constant 1008 : index
      %swap3A_216 = tpu.vector_load %arg9[%swap3A_214, %swap3A_215] {strides = array<i32>} : memref<32x1024xf32, #tpu.memory_space<vmem>>, vector<16xf32>,
      tpu.vector_store %arg9[%swap3A_214, %swap3A_215], %broadcast_in_dim3A_3 {strides = array<i32>} : memref<32x1024xf32, #tpu.memory_space<vmem>>, vector<16xf32>,
      %scan3A_217 = arith.constant 0 : i32
      scf.yield %scan3A_217 : i32
    }
    %scan3A_9 = arith.constant 32 : i32
    %iota3A = tpu.iota {dimensions = array<i32: 0>} : vector<16xi32>
    %get3A = arith.index_cast %add3A : i32 to index
    %get3A_10 = arith.constant 0 : index
    %get3A_11 = tpu.vector_load %arg8[%get3A, %get3A_10] {strides = array<i32>} : memref<32x16xi32, #tpu.memory_space<vmem>>, vector<16xi32>,
    %slice3A = vector.extract_strided_slice %get3A_11 {offsets = [0], sizes = [1], strides = [1]} : vector<16xi32> to vector<1xi32>
    %squeeze3A = vector.extract %slice3A[0] : i32 from vector<1xi32>
    %slice3A_12 = vector.extract_strided_slice %get3A_11 {offsets = [1], sizes = [1], strides = [1]} : vector<16xi32> to vector<1xi32>
    %squeeze3A_13 = vector.extract %slice3A_12[0] : i32 from vector<1xi32>
    %while3A = arith.constant 0 : i32
    %while3A_14 = arith.subi %squeeze3A_13, %squeeze3A : i32
    %while3A_15 = arith.addi %squeeze3A, %while3A_14 : i32
    %while3A_16 = arith.constant 1 : i32
    %while3A_17 = arith.divsi %while3A_14, %while3A_16 : i32
    %while3A_18 = arith.muli %while3A_17, %while3A_16 : i32
    %while3A_19 = arith.addi %squeeze3A, %while3A_18 : i32
    %while3A_20 = arith.constant 1 : i32
    %while3A_21 = scf.for %while3A_24 = %squeeze3A to %while3A_19 step %while3A_20 iter_args(%while3A_25 = %while3A) -> (i32)  : i32 {
      %get3A_26 = arith.index_cast %while3A_24 : i32 to index
      %get3A_27 = arith.constant 0 : index
      %get3A_28 = tpu.vector_load %arg7[%get3A_26, %get3A_27] {strides = array<i32>} : memref<256x16xi32, #tpu.memory_space<vmem>>, vector<16xi32>,
      %slice3A_29 = vector.extract_strided_slice %get3A_28 {offsets = [0], sizes = [1], strides = [1]} : vector<16xi32> to vector<1xi32>
      %squeeze3A_30 = vector.extract %slice3A_29[0] : i32 from vector<1xi32>
      %slice3A_31 = vector.extract_strided_slice %get3A_28 {offsets = [1], sizes = [1], strides = [1]} : vector<16xi32> to vector<1xi32>
      %squeeze3A_32 = vector.extract %slice3A_31[0] : i32 from vector<1xi32>
      %max3A = arith.maxsi %squeeze3A_30, %mul3A_2 : i32
      %add3A_33 = arith.constant 128 : i32
      %add3A_34 = arith.addi %squeeze3A_30, %add3A_33 : i32
      %add3A_35 = arith.constant 32 : i32
      %add3A_36 = arith.addi %mul3A_2, %add3A_35 : i32
      %min3A = arith.minsi %add3A_34, %add3A_36 : i32
      %jit3A = arith.constant 16 : i32
      %div3A = arith.divsi %squeeze3A_32, %jit3A : i32
      %sign3A = arith.constant 0 : i32
      %sign3A_37 = arith.cmpi sgt, %squeeze3A_32, %sign3A : i32
      %sign3A_38 = arith.extui %sign3A_37 : i1 to i32
      %sign3A_39 = arith.constant 0 : i32
      %sign3A_40 = arith.cmpi slt, %squeeze3A_32, %sign3A_39 : i32
      %sign3A_41 = arith.extui %sign3A_40 : i1 to i32
      %sign3A_42 = arith.subi %sign3A_38, %sign3A_41 : i32
      %sign3A_43 = arith.constant 0 : i32
      %sign3A_44 = arith.cmpi sgt, %jit3A, %sign3A_43 : i32
      %sign3A_45 = arith.extui %sign3A_44 : i1 to i32
      %sign3A_46 = arith.constant 0 : i32
      %sign3A_47 = arith.cmpi slt, %jit3A, %sign3A_46 : i32
      %sign3A_48 = arith.extui %sign3A_47 : i1 to i32
      %sign3A_49 = arith.subi %sign3A_45, %sign3A_48 : i32
      %ne3A = arith.cmpi ne, %sign3A_42, %sign3A_49 : i32
      %rem3A = arith.remsi %squeeze3A_32, %jit3A : i32
      %ne3A_50 = arith.constant 0 : i32
      %ne3A_51 = arith.cmpi ne, %rem3A, %ne3A_50 : i32
      %and3A = arith.andi %ne3A, %ne3A_51 : i1
      %sub3A = arith.constant 1 : i32
      %sub3A_52 = arith.subi %div3A, %sub3A : i32
      %select_n3A = arith.select %and3A, %sub3A_52, %div3A : i32
      %mul3A_53 = arith.constant 16 : i32
      %mul3A_54 = arith.muli %select_n3A, %mul3A_53 : i32
      %add3A_55 = arith.constant 16 : i32
      %add3A_56 = arith.addi %add3A_55, %mul3A_54 : i32
      %sub3A_57 = arith.subi %add3A_56, %squeeze3A_32 : i32
      %add3A_58 = arith.constant 0 : i32
      %add3A_59 = arith.addi %sub3A_57, %add3A_58 : i32
      %add3A_60 = vector.broadcast %add3A_59 : i32 to vector<16xi32>
      %add3A_61 = arith.addi %add3A_60, %iota3A : vector<16xi32>
      %mul3A_62 = arith.constant 16 : i32
      %mul3A_63 = arith.muli %select_n3A, %mul3A_62 : i32
      %add3A_64 = arith.constant 16 : i32
      %add3A_65 = arith.addi %add3A_64, %mul3A_63 : i32
      %sub3A_66 = arith.subi %add3A_65, %squeeze3A_32 : i32
      %add3A_67 = arith.constant 16 : i32
      %add3A_68 = arith.addi %sub3A_66, %add3A_67 : i32
      %add3A_69 = vector.broadcast %add3A_68 : i32 to vector<16xi32>
      %add3A_70 = arith.addi %add3A_69, %iota3A : vector<16xi32>
      %mul3A_71 = arith.constant 16 : i32
      %mul3A_72 = arith.muli %select_n3A, %mul3A_71 : i32
      %add3A_73 = arith.constant 16 : i32
      %add3A_74 = arith.addi %add3A_73, %mul3A_72 : i32
      %sub3A_75 = arith.subi %add3A_74, %squeeze3A_32 : i32
      %add3A_76 = arith.constant 32 : i32
      %add3A_77 = arith.addi %sub3A_75, %add3A_76 : i32
      %add3A_78 = vector.broadcast %add3A_77 : i32 to vector<16xi32>
      %add3A_79 = arith.addi %add3A_78, %iota3A : vector<16xi32>
      %mul3A_80 = arith.constant 16 : i32
      %mul3A_81 = arith.muli %select_n3A, %mul3A_80 : i32
      %add3A_82 = arith.constant 16 : i32
      %add3A_83 = arith.addi %add3A_82, %mul3A_81 : i32
      %sub3A_84 = arith.subi %add3A_83, %squeeze3A_32 : i32
      %add3A_85 = arith.constant 48 : i32
      %add3A_86 = arith.addi %sub3A_84, %add3A_85 : i32
      %add3A_87 = vector.broadcast %add3A_86 : i32 to vector<16xi32>
      %add3A_88 = arith.addi %add3A_87, %iota3A : vector<16xi32>
      %mul3A_89 = arith.constant 16 : i32
      %mul3A_90 = arith.muli %select_n3A, %mul3A_89 : i32
      %add3A_91 = arith.constant 16 : i32
      %add3A_92 = arith.addi %add3A_91, %mul3A_90 : i32
      %sub3A_93 = arith.subi %add3A_92, %squeeze3A_32 : i32
      %add3A_94 = arith.constant 64 : i32
      %add3A_95 = arith.addi %sub3A_93, %add3A_94 : i32
      %add3A_96 = vector.broadcast %add3A_95 : i32 to vector<16xi32>
      %add3A_97 = arith.addi %add3A_96, %iota3A : vector<16xi32>
      %mul3A_98 = arith.constant 16 : i32
      %mul3A_99 = arith.muli %select_n3A, %mul3A_98 : i32
      %add3A_100 = arith.constant 16 : i32
      %add3A_101 = arith.addi %add3A_100, %mul3A_99 : i32
      %sub3A_102 = arith.subi %add3A_101, %squeeze3A_32 : i32
      %add3A_103 = arith.constant 80 : i32
      %add3A_104 = arith.addi %sub3A_102, %add3A_103 : i32
      %add3A_105 = vector.broadcast %add3A_104 : i32 to vector<16xi32>
      %add3A_106 = arith.addi %add3A_105, %iota3A : vector<16xi32>
      %mul3A_107 = arith.constant 16 : i32
      %mul3A_108 = arith.muli %select_n3A, %mul3A_107 : i32
      %add3A_109 = arith.constant 16 : i32
      %add3A_110 = arith.addi %add3A_109, %mul3A_108 : i32
      %sub3A_111 = arith.subi %add3A_110, %squeeze3A_32 : i32
      %add3A_112 = arith.constant 96 : i32
      %add3A_113 = arith.addi %sub3A_111, %add3A_112 : i32
      %add3A_114 = vector.broadcast %add3A_113 : i32 to vector<16xi32>
      %add3A_115 = arith.addi %add3A_114, %iota3A : vector<16xi32>
      %mul3A_116 = arith.constant 16 : i32
      %mul3A_117 = arith.muli %select_n3A, %mul3A_116 : i32
      %add3A_118 = arith.constant 16 : i32
      %add3A_119 = arith.addi %add3A_118, %mul3A_117 : i32
      %sub3A_120 = arith.subi %add3A_119, %squeeze3A_32 : i32
      %add3A_121 = arith.constant 112 : i32
      %add3A_122 = arith.addi %sub3A_120, %add3A_121 : i32
      %add3A_123 = vector.broadcast %add3A_122 : i32 to vector<16xi32>
      %add3A_124 = arith.addi %add3A_123, %iota3A : vector<16xi32>
      %mul3A_125 = arith.constant 16 : i32
      %mul3A_126 = arith.muli %select_n3A, %mul3A_125 : i32
      %add3A_127 = arith.constant 16 : i32
      %add3A_128 = arith.addi %add3A_127, %mul3A_126 : i32
      %sub3A_129 = arith.subi %add3A_128, %squeeze3A_32 : i32
      %add3A_130 = arith.constant 128 : i32
      %add3A_131 = arith.addi %sub3A_129, %add3A_130 : i32
      %add3A_132 = vector.broadcast %add3A_131 : i32 to vector<16xi32>
      %add3A_133 = arith.addi %add3A_132, %iota3A : vector<16xi32>
      %parallel_loop3A = arith.constant 1 : i32
      scf.for %parallel_loop3A_135 = %max3A to %min3A step %parallel_loop3A  : i32 {
        %parallel_loop3A_136 = arith.subi %parallel_loop3A_135, %squeeze3A_30 : i32
        %parallel_loop3A_137 = arith.constant 160 : i32
        %parallel_loop3A_138 = arith.muli %parallel_loop3A_136, %parallel_loop3A_137 : i32
        %parallel_loop3A_139 = arith.subi %parallel_loop3A_135, %mul3A_2 : i32
        %parallel_loop3A_140 = vector.broadcast %parallel_loop3A_138 : i32 to vector<16xi32>
        %parallel_loop3A_141 = arith.addi %parallel_loop3A_140, %add3A_61 : vector<16xi32>
        %parallel_loop3A_142 = tpu.vector_load_idx %arg6[%parallel_loop3A_141] : memref<20480xf32, #tpu.memory_space<vmem>>[vector<16xi32>], vector<16xf32>,
        %parallel_loop3A_143 = arith.constant 0 : i32
        %parallel_loop3A_144 = arith.addi %select_n3A, %parallel_loop3A_143 : i32
        %parallel_loop3A_145 = arith.constant 16 : i32
        %parallel_loop3A_146 = arith.muli %parallel_loop3A_144, %parallel_loop3A_145 : i32
        %parallel_loop3A_147 = tpu.assume_multiple %parallel_loop3A_146, 16 : i32
        %parallel_loop3A_148 = arith.index_cast %parallel_loop3A_139 : i32 to index
        %parallel_loop3A_149 = arith.index_cast %parallel_loop3A_147 : i32 to index
        %parallel_loop3A_150 = tpu.vector_load %arg9[%parallel_loop3A_148, %parallel_loop3A_149] {strides = array<i32>} : memref<32x1024xf32, #tpu.memory_space<vmem>>, vector<16xf32>,
        tpu.vector_store %arg9[%parallel_loop3A_148, %parallel_loop3A_149], %parallel_loop3A_142 {add = true, strides = array<i32>} : memref<32x1024xf32, #tpu.memory_space<vmem>>, vector<16xf32>,
        %parallel_loop3A_151 = vector.broadcast %parallel_loop3A_138 : i32 to vector<16xi32>
        %parallel_loop3A_152 = arith.addi %parallel_loop3A_151, %add3A_70 : vector<16xi32>
        %parallel_loop3A_153 = tpu.vector_load_idx %arg6[%parallel_loop3A_152] : memref<20480xf32, #tpu.memory_space<vmem>>[vector<16xi32>], vector<16xf32>,
        %parallel_loop3A_154 = arith.constant 1 : i32
        %parallel_loop3A_155 = arith.addi %select_n3A, %parallel_loop3A_154 : i32
        %parallel_loop3A_156 = arith.constant 16 : i32
        %parallel_loop3A_157 = arith.muli %parallel_loop3A_155, %parallel_loop3A_156 : i32
        %parallel_loop3A_158 = tpu.assume_multiple %parallel_loop3A_157, 16 : i32
        %parallel_loop3A_159 = arith.index_cast %parallel_loop3A_139 : i32 to index
        %parallel_loop3A_160 = arith.index_cast %parallel_loop3A_158 : i32 to index
        %parallel_loop3A_161 = tpu.vector_load %arg9[%parallel_loop3A_159, %parallel_loop3A_160] {strides = array<i32>} : memref<32x1024xf32, #tpu.memory_space<vmem>>, vector<16xf32>,
        tpu.vector_store %arg9[%parallel_loop3A_159, %parallel_loop3A_160], %parallel_loop3A_153 {add = true, strides = array<i32>} : memref<32x1024xf32, #tpu.memory_space<vmem>>, vector<16xf32>,
        %parallel_loop3A_162 = vector.broadcast %parallel_loop3A_138 : i32 to vector<16xi32>
        %parallel_loop3A_163 = arith.addi %parallel_loop3A_162, %add3A_79 : vector<16xi32>
        %parallel_loop3A_164 = tpu.vector_load_idx %arg6[%parallel_loop3A_163] : memref<20480xf32, #tpu.memory_space<vmem>>[vector<16xi32>], vector<16xf32>,
        %parallel_loop3A_165 = arith.constant 2 : i32
        %parallel_loop3A_166 = arith.addi %select_n3A, %parallel_loop3A_165 : i32
        %parallel_loop3A_167 = arith.constant 16 : i32
        %parallel_loop3A_168 = arith.muli %parallel_loop3A_166, %parallel_loop3A_167 : i32
        %parallel_loop3A_169 = tpu.assume_multiple %parallel_loop3A_168, 16 : i32
        %parallel_loop3A_170 = arith.index_cast %parallel_loop3A_139 : i32 to index
        %parallel_loop3A_171 = arith.index_cast %parallel_loop3A_169 : i32 to index
        %parallel_loop3A_172 = tpu.vector_load %arg9[%parallel_loop3A_170, %parallel_loop3A_171] {strides = array<i32>} : memref<32x1024xf32, #tpu.memory_space<vmem>>, vector<16xf32>,
        tpu.vector_store %arg9[%parallel_loop3A_170, %parallel_loop3A_171], %parallel_loop3A_164 {add = true, strides = array<i32>} : memref<32x1024xf32, #tpu.memory_space<vmem>>, vector<16xf32>,
        %parallel_loop3A_173 = vector.broadcast %parallel_loop3A_138 : i32 to vector<16xi32>
        %parallel_loop3A_174 = arith.addi %parallel_loop3A_173, %add3A_88 : vector<16xi32>
        %parallel_loop3A_175 = tpu.vector_load_idx %arg6[%parallel_loop3A_174] : memref<20480xf32, #tpu.memory_space<vmem>>[vector<16xi32>], vector<16xf32>,
        %parallel_loop3A_176 = arith.constant 3 : i32
        %parallel_loop3A_177 = arith.addi %select_n3A, %parallel_loop3A_176 : i32
        %parallel_loop3A_178 = arith.constant 16 : i32
        %parallel_loop3A_179 = arith.muli %parallel_loop3A_177, %parallel_loop3A_178 : i32
        %parallel_loop3A_180 = tpu.assume_multiple %parallel_loop3A_179, 16 : i32
        %parallel_loop3A_181 = arith.index_cast %parallel_loop3A_139 : i32 to index
        %parallel_loop3A_182 = arith.index_cast %parallel_loop3A_180 : i32 to index
        %parallel_loop3A_183 = tpu.vector_load %arg9[%parallel_loop3A_181, %parallel_loop3A_182] {strides = array<i32>} : memref<32x1024xf32, #tpu.memory_space<vmem>>, vector<16xf32>,
        tpu.vector_store %arg9[%parallel_loop3A_181, %parallel_loop3A_182], %parallel_loop3A_175 {add = true, strides = array<i32>} : memref<32x1024xf32, #tpu.memory_space<vmem>>, vector<16xf32>,
        %parallel_loop3A_184 = vector.broadcast %parallel_loop3A_138 : i32 to vector<16xi32>
        %parallel_loop3A_185 = arith.addi %parallel_loop3A_184, %add3A_97 : vector<16xi32>
        %parallel_loop3A_186 = tpu.vector_load_idx %arg6[%parallel_loop3A_185] : memref<20480xf32, #tpu.memory_space<vmem>>[vector<16xi32>], vector<16xf32>,
        %parallel_loop3A_187 = arith.constant 4 : i32
        %parallel_loop3A_188 = arith.addi %select_n3A, %parallel_loop3A_187 : i32
        %parallel_loop3A_189 = arith.constant 16 : i32
        %parallel_loop3A_190 = arith.muli %parallel_loop3A_188, %parallel_loop3A_189 : i32
        %parallel_loop3A_191 = tpu.assume_multiple %parallel_loop3A_190, 16 : i32
        %parallel_loop3A_192 = arith.index_cast %parallel_loop3A_139 : i32 to index
        %parallel_loop3A_193 = arith.index_cast %parallel_loop3A_191 : i32 to index
        %parallel_loop3A_194 = tpu.vector_load %arg9[%parallel_loop3A_192, %parallel_loop3A_193] {strides = array<i32>} : memref<32x1024xf32, #tpu.memory_space<vmem>>, vector<16xf32>,
        tpu.vector_store %arg9[%parallel_loop3A_192, %parallel_loop3A_193], %parallel_loop3A_186 {add = true, strides = array<i32>} : memref<32x1024xf32, #tpu.memory_space<vmem>>, vector<16xf32>,
        %parallel_loop3A_195 = vector.broadcast %parallel_loop3A_138 : i32 to vector<16xi32>
        %parallel_loop3A_196 = arith.addi %parallel_loop3A_195, %add3A_106 : vector<16xi32>
        %parallel_loop3A_197 = tpu.vector_load_idx %arg6[%parallel_loop3A_196] : memref<20480xf32, #tpu.memory_space<vmem>>[vector<16xi32>], vector<16xf32>,
        %parallel_loop3A_198 = arith.constant 5 : i32
        %parallel_loop3A_199 = arith.addi %select_n3A, %parallel_loop3A_198 : i32
        %parallel_loop3A_200 = arith.constant 16 : i32
        %parallel_loop3A_201 = arith.muli %parallel_loop3A_199, %parallel_loop3A_200 : i32
        %parallel_loop3A_202 = tpu.assume_multiple %parallel_loop3A_201, 16 : i32
        %parallel_loop3A_203 = arith.index_cast %parallel_loop3A_139 : i32 to index
        %parallel_loop3A_204 = arith.index_cast %parallel_loop3A_202 : i32 to index
        %parallel_loop3A_205 = tpu.vector_load %arg9[%parallel_loop3A_203, %parallel_loop3A_204] {strides = array<i32>} : memref<32x1024xf32, #tpu.memory_space<vmem>>, vector<16xf32>,
        tpu.vector_store %arg9[%parallel_loop3A_203, %parallel_loop3A_204], %parallel_loop3A_197 {add = true, strides = array<i32>} : memref<32x1024xf32, #tpu.memory_space<vmem>>, vector<16xf32>,
        %parallel_loop3A_206 = vector.broadcast %parallel_loop3A_138 : i32 to vector<16xi32>
        %parallel_loop3A_207 = arith.addi %parallel_loop3A_206, %add3A_115 : vector<16xi32>
        %parallel_loop3A_208 = tpu.vector_load_idx %arg6[%parallel_loop3A_207] : memref<20480xf32, #tpu.memory_space<vmem>>[vector<16xi32>], vector<16xf32>,
        %parallel_loop3A_209 = arith.constant 6 : i32
        %parallel_loop3A_210 = arith.addi %select_n3A, %parallel_loop3A_209 : i32
        %parallel_loop3A_211 = arith.constant 16 : i32
        %parallel_loop3A_212 = arith.muli %parallel_loop3A_210, %parallel_loop3A_211 : i32
        %parallel_loop3A_213 = tpu.assume_multiple %parallel_loop3A_212, 16 : i32
        %parallel_loop3A_214 = arith.index_cast %parallel_loop3A_139 : i32 to index
        %parallel_loop3A_215 = arith.index_cast %parallel_loop3A_213 : i32 to index
        %parallel_loop3A_216 = tpu.vector_load %arg9[%parallel_loop3A_214, %parallel_loop3A_215] {strides = array<i32>} : memref<32x1024xf32, #tpu.memory_space<vmem>>, vector<16xf32>,
        tpu.vector_store %arg9[%parallel_loop3A_214, %parallel_loop3A_215], %parallel_loop3A_208 {add = true, strides = array<i32>} : memref<32x1024xf32, #tpu.memory_space<vmem>>, vector<16xf32>,
        %parallel_loop3A_217 = vector.broadcast %parallel_loop3A_138 : i32 to vector<16xi32>
        %parallel_loop3A_218 = arith.addi %parallel_loop3A_217, %add3A_124 : vector<16xi32>
        %parallel_loop3A_219 = tpu.vector_load_idx %arg6[%parallel_loop3A_218] : memref<20480xf32, #tpu.memory_space<vmem>>[vector<16xi32>], vector<16xf32>,
        %parallel_loop3A_220 = arith.constant 7 : i32
        %parallel_loop3A_221 = arith.addi %select_n3A, %parallel_loop3A_220 : i32
        %parallel_loop3A_222 = arith.constant 16 : i32
        %parallel_loop3A_223 = arith.muli %parallel_loop3A_221, %parallel_loop3A_222 : i32
        %parallel_loop3A_224 = tpu.assume_multiple %parallel_loop3A_223, 16 : i32
        %parallel_loop3A_225 = arith.index_cast %parallel_loop3A_139 : i32 to index
        %parallel_loop3A_226 = arith.index_cast %parallel_loop3A_224 : i32 to index
        %parallel_loop3A_227 = tpu.vector_load %arg9[%parallel_loop3A_225, %parallel_loop3A_226] {strides = array<i32>} : memref<32x1024xf32, #tpu.memory_space<vmem>>, vector<16xf32>,
        tpu.vector_store %arg9[%parallel_loop3A_225, %parallel_loop3A_226], %parallel_loop3A_219 {add = true, strides = array<i32>} : memref<32x1024xf32, #tpu.memory_space<vmem>>, vector<16xf32>,
        %parallel_loop3A_228 = vector.broadcast %parallel_loop3A_138 : i32 to vector<16xi32>
        %parallel_loop3A_229 = arith.addi %parallel_loop3A_228, %add3A_133 : vector<16xi32>
        %parallel_loop3A_230 = tpu.vector_load_idx %arg6[%parallel_loop3A_229] : memref<20480xf32, #tpu.memory_space<vmem>>[vector<16xi32>], vector<16xf32>,
        %parallel_loop3A_231 = arith.constant 8 : i32
        %parallel_loop3A_232 = arith.addi %select_n3A, %parallel_loop3A_231 : i32
        %parallel_loop3A_233 = arith.constant 16 : i32
        %parallel_loop3A_234 = arith.muli %parallel_loop3A_232, %parallel_loop3A_233 : i32
        %parallel_loop3A_235 = tpu.assume_multiple %parallel_loop3A_234, 16 : i32
        %parallel_loop3A_236 = arith.index_cast %parallel_loop3A_139 : i32 to index
        %parallel_loop3A_237 = arith.index_cast %parallel_loop3A_235 : i32 to index
        %parallel_loop3A_238 = tpu.vector_load %arg9[%parallel_loop3A_236, %parallel_loop3A_237] {strides = array<i32>} : memref<32x1024xf32, #tpu.memory_space<vmem>>, vector<16xf32>,
        tpu.vector_store %arg9[%parallel_loop3A_236, %parallel_loop3A_237], %parallel_loop3A_230 {add = true, strides = array<i32>} : memref<32x1024xf32, #tpu.memory_space<vmem>>, vector<16xf32>,
      } {sc.loop_unroll_factor = 2 : i64, sc.parallel_access}
      %while3A_134 = arith.constant 0 : i32
      scf.yield %while3A_134 : i32
    }
    %while3A_22 = arith.constant 1 : i32
    %while3A_23 = scf.for %while3A_24 = %while3A_19 to %while3A_15 step %while3A_22 iter_args(%while3A_25 = %while3A_21) -> (i32)  : i32 {
      %get3A_26 = arith.index_cast %while3A_24 : i32 to index
      %get3A_27 = arith.constant 0 : index
      %get3A_28 = tpu.vector_load %arg7[%get3A_26, %get3A_27] {strides = array<i32>} : memref<256x16xi32, #tpu.memory_space<vmem>>, vector<16xi32>,
      %slice3A_29 = vector.extract_strided_slice %get3A_28 {offsets = [0], sizes = [1], strides = [1]} : vector<16xi32> to vector<1xi32>
      %squeeze3A_30 = vector.extract %slice3A_29[0] : i32 from vector<1xi32>
      %slice3A_31 = vector.extract_strided_slice %get3A_28 {offsets = [1], sizes = [1], strides = [1]} : vector<16xi32> to vector<1xi32>
      %squeeze3A_32 = vector.extract %slice3A_31[0] : i32 from vector<1xi32>
      %max3A = arith.maxsi %squeeze3A_30, %mul3A_2 : i32
      %add3A_33 = arith.constant 128 : i32
      %add3A_34 = arith.addi %squeeze3A_30, %add3A_33 : i32
      %add3A_35 = arith.constant 32 : i32
      %add3A_36 = arith.addi %mul3A_2, %add3A_35 : i32
      %min3A = arith.minsi %add3A_34, %add3A_36 : i32
      %jit3A = arith.constant 16 : i32
      %div3A = arith.divsi %squeeze3A_32, %jit3A : i32
      %sign3A = arith.constant 0 : i32
      %sign3A_37 = arith.cmpi sgt, %squeeze3A_32, %sign3A : i32
      %sign3A_38 = arith.extui %sign3A_37 : i1 to i32
      %sign3A_39 = arith.constant 0 : i32
      %sign3A_40 = arith.cmpi slt, %squeeze3A_32, %sign3A_39 : i32
      %sign3A_41 = arith.extui %sign3A_40 : i1 to i32
      %sign3A_42 = arith.subi %sign3A_38, %sign3A_41 : i32
      %sign3A_43 = arith.constant 0 : i32
      %sign3A_44 = arith.cmpi sgt, %jit3A, %sign3A_43 : i32
      %sign3A_45 = arith.extui %sign3A_44 : i1 to i32
      %sign3A_46 = arith.constant 0 : i32
      %sign3A_47 = arith.cmpi slt, %jit3A, %sign3A_46 : i32
      %sign3A_48 = arith.extui %sign3A_47 : i1 to i32
      %sign3A_49 = arith.subi %sign3A_45, %sign3A_48 : i32
      %ne3A = arith.cmpi ne, %sign3A_42, %sign3A_49 : i32
      %rem3A = arith.remsi %squeeze3A_32, %jit3A : i32
      %ne3A_50 = arith.constant 0 : i32
      %ne3A_51 = arith.cmpi ne, %rem3A, %ne3A_50 : i32
      %and3A = arith.andi %ne3A, %ne3A_51 : i1
      %sub3A = arith.constant 1 : i32
      %sub3A_52 = arith.subi %div3A, %sub3A : i32
      %select_n3A = arith.select %and3A, %sub3A_52, %div3A : i32
      %mul3A_53 = arith.constant 16 : i32
      %mul3A_54 = arith.muli %select_n3A, %mul3A_53 : i32
      %add3A_55 = arith.constant 16 : i32
      %add3A_56 = arith.addi %add3A_55, %mul3A_54 : i32
      %sub3A_57 = arith.subi %add3A_56, %squeeze3A_32 : i32
      %add3A_58 = arith.constant 0 : i32
      %add3A_59 = arith.addi %sub3A_57, %add3A_58 : i32
      %add3A_60 = vector.broadcast %add3A_59 : i32 to vector<16xi32>
      %add3A_61 = arith.addi %add3A_60, %iota3A : vector<16xi32>
      %mul3A_62 = arith.constant 16 : i32
      %mul3A_63 = arith.muli %select_n3A, %mul3A_62 : i32
      %add3A_64 = arith.constant 16 : i32
      %add3A_65 = arith.addi %add3A_64, %mul3A_63 : i32
      %sub3A_66 = arith.subi %add3A_65, %squeeze3A_32 : i32
      %add3A_67 = arith.constant 16 : i32
      %add3A_68 = arith.addi %sub3A_66, %add3A_67 : i32
      %add3A_69 = vector.broadcast %add3A_68 : i32 to vector<16xi32>
      %add3A_70 = arith.addi %add3A_69, %iota3A : vector<16xi32>
      %mul3A_71 = arith.constant 16 : i32
      %mul3A_72 = arith.muli %select_n3A, %mul3A_71 : i32
      %add3A_73 = arith.constant 16 : i32
      %add3A_74 = arith.addi %add3A_73, %mul3A_72 : i32
      %sub3A_75 = arith.subi %add3A_74, %squeeze3A_32 : i32
      %add3A_76 = arith.constant 32 : i32
      %add3A_77 = arith.addi %sub3A_75, %add3A_76 : i32
      %add3A_78 = vector.broadcast %add3A_77 : i32 to vector<16xi32>
      %add3A_79 = arith.addi %add3A_78, %iota3A : vector<16xi32>
      %mul3A_80 = arith.constant 16 : i32
      %mul3A_81 = arith.muli %select_n3A, %mul3A_80 : i32
      %add3A_82 = arith.constant 16 : i32
      %add3A_83 = arith.addi %add3A_82, %mul3A_81 : i32
      %sub3A_84 = arith.subi %add3A_83, %squeeze3A_32 : i32
      %add3A_85 = arith.constant 48 : i32
      %add3A_86 = arith.addi %sub3A_84, %add3A_85 : i32
      %add3A_87 = vector.broadcast %add3A_86 : i32 to vector<16xi32>
      %add3A_88 = arith.addi %add3A_87, %iota3A : vector<16xi32>
      %mul3A_89 = arith.constant 16 : i32
      %mul3A_90 = arith.muli %select_n3A, %mul3A_89 : i32
      %add3A_91 = arith.constant 16 : i32
      %add3A_92 = arith.addi %add3A_91, %mul3A_90 : i32
      %sub3A_93 = arith.subi %add3A_92, %squeeze3A_32 : i32
      %add3A_94 = arith.constant 64 : i32
      %add3A_95 = arith.addi %sub3A_93, %add3A_94 : i32
      %add3A_96 = vector.broadcast %add3A_95 : i32 to vector<16xi32>
      %add3A_97 = arith.addi %add3A_96, %iota3A : vector<16xi32>
      %mul3A_98 = arith.constant 16 : i32
      %mul3A_99 = arith.muli %select_n3A, %mul3A_98 : i32
      %add3A_100 = arith.constant 16 : i32
      %add3A_101 = arith.addi %add3A_100, %mul3A_99 : i32
      %sub3A_102 = arith.subi %add3A_101, %squeeze3A_32 : i32
      %add3A_103 = arith.constant 80 : i32
      %add3A_104 = arith.addi %sub3A_102, %add3A_103 : i32
      %add3A_105 = vector.broadcast %add3A_104 : i32 to vector<16xi32>
      %add3A_106 = arith.addi %add3A_105, %iota3A : vector<16xi32>
      %mul3A_107 = arith.constant 16 : i32
      %mul3A_108 = arith.muli %select_n3A, %mul3A_107 : i32
      %add3A_109 = arith.constant 16 : i32
      %add3A_110 = arith.addi %add3A_109, %mul3A_108 : i32
      %sub3A_111 = arith.subi %add3A_110, %squeeze3A_32 : i32
      %add3A_112 = arith.constant 96 : i32
      %add3A_113 = arith.addi %sub3A_111, %add3A_112 : i32
      %add3A_114 = vector.broadcast %add3A_113 : i32 to vector<16xi32>
      %add3A_115 = arith.addi %add3A_114, %iota3A : vector<16xi32>
      %mul3A_116 = arith.constant 16 : i32
      %mul3A_117 = arith.muli %select_n3A, %mul3A_116 : i32
      %add3A_118 = arith.constant 16 : i32
      %add3A_119 = arith.addi %add3A_118, %mul3A_117 : i32
      %sub3A_120 = arith.subi %add3A_119, %squeeze3A_32 : i32
      %add3A_121 = arith.constant 112 : i32
      %add3A_122 = arith.addi %sub3A_120, %add3A_121 : i32
      %add3A_123 = vector.broadcast %add3A_122 : i32 to vector<16xi32>
      %add3A_124 = arith.addi %add3A_123, %iota3A : vector<16xi32>
      %mul3A_125 = arith.constant 16 : i32
      %mul3A_126 = arith.muli %select_n3A, %mul3A_125 : i32
      %add3A_127 = arith.constant 16 : i32
      %add3A_128 = arith.addi %add3A_127, %mul3A_126 : i32
      %sub3A_129 = arith.subi %add3A_128, %squeeze3A_32 : i32
      %add3A_130 = arith.constant 128 : i32
      %add3A_131 = arith.addi %sub3A_129, %add3A_130 : i32
      %add3A_132 = vector.broadcast %add3A_131 : i32 to vector<16xi32>
      %add3A_133 = arith.addi %add3A_132, %iota3A : vector<16xi32>
      %parallel_loop3A = arith.constant 1 : i32
      scf.for %parallel_loop3A_135 = %max3A to %min3A step %parallel_loop3A  : i32 {
        %parallel_loop3A_136 = arith.subi %parallel_loop3A_135, %squeeze3A_30 : i32
        %parallel_loop3A_137 = arith.constant 160 : i32
        %parallel_loop3A_138 = arith.muli %parallel_loop3A_136, %parallel_loop3A_137 : i32
        %parallel_loop3A_139 = arith.subi %parallel_loop3A_135, %mul3A_2 : i32
        %parallel_loop3A_140 = vector.broadcast %parallel_loop3A_138 : i32 to vector<16xi32>
        %parallel_loop3A_141 = arith.addi %parallel_loop3A_140, %add3A_61 : vector<16xi32>
        %parallel_loop3A_142 = tpu.vector_load_idx %arg6[%parallel_loop3A_141] : memref<20480xf32, #tpu.memory_space<vmem>>[vector<16xi32>], vector<16xf32>,
        %parallel_loop3A_143 = arith.constant 0 : i32
        %parallel_loop3A_144 = arith.addi %select_n3A, %parallel_loop3A_143 : i32
        %parallel_loop3A_145 = arith.constant 16 : i32
        %parallel_loop3A_146 = arith.muli %parallel_loop3A_144, %parallel_loop3A_145 : i32
        %parallel_loop3A_147 = tpu.assume_multiple %parallel_loop3A_146, 16 : i32
        %parallel_loop3A_148 = arith.index_cast %parallel_loop3A_139 : i32 to index
        %parallel_loop3A_149 = arith.index_cast %parallel_loop3A_147 : i32 to index
        %parallel_loop3A_150 = tpu.vector_load %arg9[%parallel_loop3A_148, %parallel_loop3A_149] {strides = array<i32>} : memref<32x1024xf32, #tpu.memory_space<vmem>>, vector<16xf32>,
        tpu.vector_store %arg9[%parallel_loop3A_148, %parallel_loop3A_149], %parallel_loop3A_142 {add = true, strides = array<i32>} : memref<32x1024xf32, #tpu.memory_space<vmem>>, vector<16xf32>,
        %parallel_loop3A_151 = vector.broadcast %parallel_loop3A_138 : i32 to vector<16xi32>
        %parallel_loop3A_152 = arith.addi %parallel_loop3A_151, %add3A_70 : vector<16xi32>
        %parallel_loop3A_153 = tpu.vector_load_idx %arg6[%parallel_loop3A_152] : memref<20480xf32, #tpu.memory_space<vmem>>[vector<16xi32>], vector<16xf32>,
        %parallel_loop3A_154 = arith.constant 1 : i32
        %parallel_loop3A_155 = arith.addi %select_n3A, %parallel_loop3A_154 : i32
        %parallel_loop3A_156 = arith.constant 16 : i32
        %parallel_loop3A_157 = arith.muli %parallel_loop3A_155, %parallel_loop3A_156 : i32
        %parallel_loop3A_158 = tpu.assume_multiple %parallel_loop3A_157, 16 : i32
        %parallel_loop3A_159 = arith.index_cast %parallel_loop3A_139 : i32 to index
        %parallel_loop3A_160 = arith.index_cast %parallel_loop3A_158 : i32 to index
        %parallel_loop3A_161 = tpu.vector_load %arg9[%parallel_loop3A_159, %parallel_loop3A_160] {strides = array<i32>} : memref<32x1024xf32, #tpu.memory_space<vmem>>, vector<16xf32>,
        tpu.vector_store %arg9[%parallel_loop3A_159, %parallel_loop3A_160], %parallel_loop3A_153 {add = true, strides = array<i32>} : memref<32x1024xf32, #tpu.memory_space<vmem>>, vector<16xf32>,
        %parallel_loop3A_162 = vector.broadcast %parallel_loop3A_138 : i32 to vector<16xi32>
        %parallel_loop3A_163 = arith.addi %parallel_loop3A_162, %add3A_79 : vector<16xi32>
        %parallel_loop3A_164 = tpu.vector_load_idx %arg6[%parallel_loop3A_163] : memref<20480xf32, #tpu.memory_space<vmem>>[vector<16xi32>], vector<16xf32>,
        %parallel_loop3A_165 = arith.constant 2 : i32
        %parallel_loop3A_166 = arith.addi %select_n3A, %parallel_loop3A_165 : i32
        %parallel_loop3A_167 = arith.constant 16 : i32
        %parallel_loop3A_168 = arith.muli %parallel_loop3A_166, %parallel_loop3A_167 : i32
        %parallel_loop3A_169 = tpu.assume_multiple %parallel_loop3A_168, 16 : i32
        %parallel_loop3A_170 = arith.index_cast %parallel_loop3A_139 : i32 to index
        %parallel_loop3A_171 = arith.index_cast %parallel_loop3A_169 : i32 to index
        %parallel_loop3A_172 = tpu.vector_load %arg9[%parallel_loop3A_170, %parallel_loop3A_171] {strides = array<i32>} : memref<32x1024xf32, #tpu.memory_space<vmem>>, vector<16xf32>,
        tpu.vector_store %arg9[%parallel_loop3A_170, %parallel_loop3A_171], %parallel_loop3A_164 {add = true, strides = array<i32>} : memref<32x1024xf32, #tpu.memory_space<vmem>>, vector<16xf32>,
        %parallel_loop3A_173 = vector.broadcast %parallel_loop3A_138 : i32 to vector<16xi32>
        %parallel_loop3A_174 = arith.addi %parallel_loop3A_173, %add3A_88 : vector<16xi32>
        %parallel_loop3A_175 = tpu.vector_load_idx %arg6[%parallel_loop3A_174] : memref<20480xf32, #tpu.memory_space<vmem>>[vector<16xi32>], vector<16xf32>,
        %parallel_loop3A_176 = arith.constant 3 : i32
        %parallel_loop3A_177 = arith.addi %select_n3A, %parallel_loop3A_176 : i32
        %parallel_loop3A_178 = arith.constant 16 : i32
        %parallel_loop3A_179 = arith.muli %parallel_loop3A_177, %parallel_loop3A_178 : i32
        %parallel_loop3A_180 = tpu.assume_multiple %parallel_loop3A_179, 16 : i32
        %parallel_loop3A_181 = arith.index_cast %parallel_loop3A_139 : i32 to index
        %parallel_loop3A_182 = arith.index_cast %parallel_loop3A_180 : i32 to index
        %parallel_loop3A_183 = tpu.vector_load %arg9[%parallel_loop3A_181, %parallel_loop3A_182] {strides = array<i32>} : memref<32x1024xf32, #tpu.memory_space<vmem>>, vector<16xf32>,
        tpu.vector_store %arg9[%parallel_loop3A_181, %parallel_loop3A_182], %parallel_loop3A_175 {add = true, strides = array<i32>} : memref<32x1024xf32, #tpu.memory_space<vmem>>, vector<16xf32>,
        %parallel_loop3A_184 = vector.broadcast %parallel_loop3A_138 : i32 to vector<16xi32>
        %parallel_loop3A_185 = arith.addi %parallel_loop3A_184, %add3A_97 : vector<16xi32>
        %parallel_loop3A_186 = tpu.vector_load_idx %arg6[%parallel_loop3A_185] : memref<20480xf32, #tpu.memory_space<vmem>>[vector<16xi32>], vector<16xf32>,
        %parallel_loop3A_187 = arith.constant 4 : i32
        %parallel_loop3A_188 = arith.addi %select_n3A, %parallel_loop3A_187 : i32
        %parallel_loop3A_189 = arith.constant 16 : i32
        %parallel_loop3A_190 = arith.muli %parallel_loop3A_188, %parallel_loop3A_189 : i32
        %parallel_loop3A_191 = tpu.assume_multiple %parallel_loop3A_190, 16 : i32
        %parallel_loop3A_192 = arith.index_cast %parallel_loop3A_139 : i32 to index
        %parallel_loop3A_193 = arith.index_cast %parallel_loop3A_191 : i32 to index
        %parallel_loop3A_194 = tpu.vector_load %arg9[%parallel_loop3A_192, %parallel_loop3A_193] {strides = array<i32>} : memref<32x1024xf32, #tpu.memory_space<vmem>>, vector<16xf32>,
        tpu.vector_store %arg9[%parallel_loop3A_192, %parallel_loop3A_193], %parallel_loop3A_186 {add = true, strides = array<i32>} : memref<32x1024xf32, #tpu.memory_space<vmem>>, vector<16xf32>,
        %parallel_loop3A_195 = vector.broadcast %parallel_loop3A_138 : i32 to vector<16xi32>
        %parallel_loop3A_196 = arith.addi %parallel_loop3A_195, %add3A_106 : vector<16xi32>
        %parallel_loop3A_197 = tpu.vector_load_idx %arg6[%parallel_loop3A_196] : memref<20480xf32, #tpu.memory_space<vmem>>[vector<16xi32>], vector<16xf32>,
        %parallel_loop3A_198 = arith.constant 5 : i32
        %parallel_loop3A_199 = arith.addi %select_n3A, %parallel_loop3A_198 : i32
        %parallel_loop3A_200 = arith.constant 16 : i32
        %parallel_loop3A_201 = arith.muli %parallel_loop3A_199, %parallel_loop3A_200 : i32
        %parallel_loop3A_202 = tpu.assume_multiple %parallel_loop3A_201, 16 : i32
        %parallel_loop3A_203 = arith.index_cast %parallel_loop3A_139 : i32 to index
        %parallel_loop3A_204 = arith.index_cast %parallel_loop3A_202 : i32 to index
        %parallel_loop3A_205 = tpu.vector_load %arg9[%parallel_loop3A_203, %parallel_loop3A_204] {strides = array<i32>} : memref<32x1024xf32, #tpu.memory_space<vmem>>, vector<16xf32>,
        tpu.vector_store %arg9[%parallel_loop3A_203, %parallel_loop3A_204], %parallel_loop3A_197 {add = true, strides = array<i32>} : memref<32x1024xf32, #tpu.memory_space<vmem>>, vector<16xf32>,
        %parallel_loop3A_206 = vector.broadcast %parallel_loop3A_138 : i32 to vector<16xi32>
        %parallel_loop3A_207 = arith.addi %parallel_loop3A_206, %add3A_115 : vector<16xi32>
        %parallel_loop3A_208 = tpu.vector_load_idx %arg6[%parallel_loop3A_207] : memref<20480xf32, #tpu.memory_space<vmem>>[vector<16xi32>], vector<16xf32>,
        %parallel_loop3A_209 = arith.constant 6 : i32
        %parallel_loop3A_210 = arith.addi %select_n3A, %parallel_loop3A_209 : i32
        %parallel_loop3A_211 = arith.constant 16 : i32
        %parallel_loop3A_212 = arith.muli %parallel_loop3A_210, %parallel_loop3A_211 : i32
        %parallel_loop3A_213 = tpu.assume_multiple %parallel_loop3A_212, 16 : i32
        %parallel_loop3A_214 = arith.index_cast %parallel_loop3A_139 : i32 to index
        %parallel_loop3A_215 = arith.index_cast %parallel_loop3A_213 : i32 to index
        %parallel_loop3A_216 = tpu.vector_load %arg9[%parallel_loop3A_214, %parallel_loop3A_215] {strides = array<i32>} : memref<32x1024xf32, #tpu.memory_space<vmem>>, vector<16xf32>,
        tpu.vector_store %arg9[%parallel_loop3A_214, %parallel_loop3A_215], %parallel_loop3A_208 {add = true, strides = array<i32>} : memref<32x1024xf32, #tpu.memory_space<vmem>>, vector<16xf32>,
        %parallel_loop3A_217 = vector.broadcast %parallel_loop3A_138 : i32 to vector<16xi32>
        %parallel_loop3A_218 = arith.addi %parallel_loop3A_217, %add3A_124 : vector<16xi32>
        %parallel_loop3A_219 = tpu.vector_load_idx %arg6[%parallel_loop3A_218] : memref<20480xf32, #tpu.memory_space<vmem>>[vector<16xi32>], vector<16xf32>,
        %parallel_loop3A_220 = arith.constant 7 : i32
        %parallel_loop3A_221 = arith.addi %select_n3A, %parallel_loop3A_220 : i32
        %parallel_loop3A_222 = arith.constant 16 : i32
        %parallel_loop3A_223 = arith.muli %parallel_loop3A_221, %parallel_loop3A_222 : i32
        %parallel_loop3A_224 = tpu.assume_multiple %parallel_loop3A_223, 16 : i32
        %parallel_loop3A_225 = arith.index_cast %parallel_loop3A_139 : i32 to index
        %parallel_loop3A_226 = arith.index_cast %parallel_loop3A_224 : i32 to index
        %parallel_loop3A_227 = tpu.vector_load %arg9[%parallel_loop3A_225, %parallel_loop3A_226] {strides = array<i32>} : memref<32x1024xf32, #tpu.memory_space<vmem>>, vector<16xf32>,
        tpu.vector_store %arg9[%parallel_loop3A_225, %parallel_loop3A_226], %parallel_loop3A_219 {add = true, strides = array<i32>} : memref<32x1024xf32, #tpu.memory_space<vmem>>, vector<16xf32>,
        %parallel_loop3A_228 = vector.broadcast %parallel_loop3A_138 : i32 to vector<16xi32>
        %parallel_loop3A_229 = arith.addi %parallel_loop3A_228, %add3A_133 : vector<16xi32>
        %parallel_loop3A_230 = tpu.vector_load_idx %arg6[%parallel_loop3A_229] : memref<20480xf32, #tpu.memory_space<vmem>>[vector<16xi32>], vector<16xf32>,
        %parallel_loop3A_231 = arith.constant 8 : i32
        %parallel_loop3A_232 = arith.addi %select_n3A, %parallel_loop3A_231 : i32
        %parallel_loop3A_233 = arith.constant 16 : i32
        %parallel_loop3A_234 = arith.muli %parallel_loop3A_232, %parallel_loop3A_233 : i32
        %parallel_loop3A_235 = tpu.assume_multiple %parallel_loop3A_234, 16 : i32
        %parallel_loop3A_236 = arith.index_cast %parallel_loop3A_139 : i32 to index
        %parallel_loop3A_237 = arith.index_cast %parallel_loop3A_235 : i32 to index
        %parallel_loop3A_238 = tpu.vector_load %arg9[%parallel_loop3A_236, %parallel_loop3A_237] {strides = array<i32>} : memref<32x1024xf32, #tpu.memory_space<vmem>>, vector<16xf32>,
        tpu.vector_store %arg9[%parallel_loop3A_236, %parallel_loop3A_237], %parallel_loop3A_230 {add = true, strides = array<i32>} : memref<32x1024xf32, #tpu.memory_space<vmem>>, vector<16xf32>,
      } {sc.loop_unroll_factor = 2 : i64, sc.parallel_access}
      %while3A_134 = arith.constant 0 : i32
      scf.yield %while3A_134 : i32
    }
    "tpu.region"() ({
      %run_scoped3A = tpu.sem_alloc : memref<!tpu.dma_semaphore, #tpu.memory_space<semaphore_mem>>
      %dma_start3A = arith.constant 0 : i32
      %dma_start3A_24 = tpu.memref_slice %arg5[%mul3A_2, %dma_start3A] : memref<1024x1024xf32, #tpu.memory_space<hbm>> -> memref<32x1024xf32, #tpu.memory_space<hbm>>
      %dma_start3A_25 = arith.constant 0 : i32
      %dma_start3A_26 = tpu.memref_slice %arg5[%mul3A_2, %dma_start3A_25] : memref<1024x1024xf32, #tpu.memory_space<hbm>> -> memref<32x1024xf32, #tpu.memory_space<hbm>>
      tpu.enqueue_dma source(%arg9 : memref<32x1024xf32, #tpu.memory_space<vmem>>) target(%dma_start3A_26 : memref<32x1024xf32, #tpu.memory_space<hbm>>) target_semaphore(%run_scoped3A : memref<!tpu.dma_semaphore, #tpu.memory_space<semaphore_mem>>)
      %dma_wait3A = arith.constant 0 : i32
      %dma_wait3A_27 = tpu.memref_slice %arg5[%mul3A_2, %dma_wait3A] : memref<1024x1024xf32, #tpu.memory_space<hbm>> -> memref<32x1024xf32, #tpu.memory_space<hbm>>
      %dma_wait3A_28 = arith.constant 0 : i32
      %dma_wait3A_29 = tpu.memref_slice %arg5[%mul3A_2, %dma_wait3A_28] : memref<1024x1024xf32, #tpu.memory_space<hbm>> -> memref<32x1024xf32, #tpu.memory_space<hbm>>
      tpu.wait_dma2 semaphore(%run_scoped3A : memref<!tpu.dma_semaphore, #tpu.memory_space<semaphore_mem>>) src(%arg9 : memref<32x1024xf32, #tpu.memory_space<vmem>>) dst(%dma_wait3A_29 : memref<32x1024xf32, #tpu.memory_space<hbm>>)
      tpu.yield
    }) : () -> ()
    return
  }
}

module attributes {stable_mosaic.version = 14 : i64} {
  func.func @_pn_body(%arg0: i32, %arg1: memref<8x1x128x128xf32, #tpu.memory_space<vmem>>, %arg2: memref<128x128xf32, #tpu.memory_space<vmem>>) attributes {dimension_semantics = [#tpu.dimension_semantics<arbitrary>], iteration_bounds = array<i64: 32>, scalar_prefetch = 0 : i64, scratch_operands = 0 : i64, tpu.core_type = #tpu.core_type<tc>, window_params = [{transform_indices = @transform_0, window_bounds = array<i64: 8, 1, 128, 128>}, {pipeline_mode = #tpu.pipeline_mode<synchronous>, transform_indices = @transform_1, window_bounds = array<i64: 128, 128>}]} {
    %eq3A = arith.constant 0 : i32
    %eq3A_0 = arith.cmpi eq, %arg0, %eq3A : i32
    %convert_element_type3A = arith.extui %eq3A_0 : i1 to i32
    %cond3A = arith.constant 0 : i32
    %cond3A_1 = arith.cmpi ne, %convert_element_type3A, %cond3A : i32
    scf.if %cond3A_1 {
      %broadcast_in_dim3A = arith.constant 0.000000e+00 : f32
      %broadcast_in_dim3A_13 = vector.broadcast %broadcast_in_dim3A : f32 to vector<128x128xf32>
      %swap3A_14 = arith.constant 0 : index
      %swap3A_15 = arith.constant 0 : index
      %swap3A_16 = vector.load %arg2[%swap3A_14, %swap3A_15] : memref<128x128xf32, #tpu.memory_space<vmem>>, vector<128x128xf32>
      tpu.vector_store %arg2[%swap3A_14, %swap3A_15], %broadcast_in_dim3A_13 {strides = array<i32>} : memref<128x128xf32, #tpu.memory_space<vmem>>, vector<128x128xf32>,
    } else {
    }
    %get3A = arith.constant 0 : index
    %get3A_2 = arith.constant 0 : index
    %get3A_3 = arith.constant 0 : index
    %get3A_4 = arith.constant 0 : index
    %get3A_5 = vector.load %arg1[%get3A, %get3A_2, %get3A_3, %get3A_4] : memref<8x1x128x128xf32, #tpu.memory_space<vmem>>, vector<8x1x128x128xf32>
    %get3A_6 = vector.shape_cast %get3A_5 : vector<8x1x128x128xf32> to vector<8x128x128xf32>
    %get3A_7 = arith.constant 0 : index
    %get3A_8 = arith.constant 0 : index
    %get3A_9 = vector.load %arg2[%get3A_7, %get3A_8] : memref<128x128xf32, #tpu.memory_space<vmem>>, vector<128x128xf32>
    %mul3A = arith.mulf %get3A_6, %get3A_6 : vector<8x128x128xf32>
    %reduce_sum3A = arith.constant dense<0.000000e+00> : vector<128x128xf32>
    %reduce_sum3A_10 = vector.multi_reduction <add>, %mul3A, %reduce_sum3A [0] : vector<8x128x128xf32> to vector<128x128xf32>
    %add3A = arith.addf %get3A_9, %reduce_sum3A_10 : vector<128x128xf32>
    %swap3A = arith.constant 0 : index
    %swap3A_11 = arith.constant 0 : index
    %swap3A_12 = vector.load %arg2[%swap3A, %swap3A_11] : memref<128x128xf32, #tpu.memory_space<vmem>>, vector<128x128xf32>
    tpu.vector_store %arg2[%swap3A, %swap3A_11], %add3A {strides = array<i32>} : memref<128x128xf32, #tpu.memory_space<vmem>>, vector<128x128xf32>,
    return
  }
  func.func @transform_0(%arg0: i32) -> (i32, i32, i32, i32) {
    %c0_i32 = arith.constant 0 : i32
    %c0_i32_0 = arith.constant 0 : i32
    %c0_i32_1 = arith.constant 0 : i32
    %c0_i32_2 = arith.constant 0 : i32
    return %arg0, %c0_i32, %c0_i32_0, %c0_i32_1 : i32, i32, i32, i32
  }
  func.func @transform_1(%arg0: i32) -> (i32, i32) {
    %c0_i32 = arith.constant 0 : i32
    %c0_i32_0 = arith.constant 0 : i32
    %c0_i32_1 = arith.constant 0 : i32
    return %c0_i32, %c0_i32_0 : i32, i32
  }
}

module attributes {stable_mosaic.version = 14 : i64} {
  func.func @_crop_mul_body(%arg0: i32, %arg1: memref<256x2xi32, #tpu.memory_space<smem>>, %arg2: memref<1x1024x1024xf32, #tpu.memory_space<vmem>>, %arg3: memref<8x1x128x128xf32, #tpu.memory_space<vmem>>, %arg4: memref<8x1x128x128xf32, #tpu.memory_space<vmem>>) attributes {dimension_semantics = [#tpu.dimension_semantics<arbitrary>], iteration_bounds = array<i64: 32>, scalar_prefetch = 1 : i64, scratch_operands = 0 : i64, tpu.core_type = #tpu.core_type<tc>, window_params = [{pipeline_mode = #tpu.pipeline_mode<synchronous>, transform_indices = @transform_0, window_bounds = array<i64: 1, 1024, 1024>}, {transform_indices = @transform_1, window_bounds = array<i64: 8, 1, 128, 128>}, {transform_indices = @transform_2, window_bounds = array<i64: 8, 1, 128, 128>}]} {
    %mul3A = arith.constant 8 : i32
    %mul3A_0 = arith.muli %arg0, %mul3A : i32
    %add3A = arith.constant 0 : i32
    %add3A_1 = arith.addi %mul3A_0, %add3A : i32
    %get3A = arith.index_cast %add3A_1 : i32 to index
    %get3A_2 = arith.constant 0 : index
    %get3A_3 = memref.load %arg1[%get3A, %get3A_2] : memref<256x2xi32, #tpu.memory_space<smem>>
    %get3A_4 = arith.index_cast %add3A_1 : i32 to index
    %get3A_5 = arith.constant 1 : index
    %get3A_6 = memref.load %arg1[%get3A_4, %get3A_5] : memref<256x2xi32, #tpu.memory_space<smem>>
    %jit3A = arith.constant 8 : i32
    %div3A = arith.divsi %get3A_3, %jit3A : i32
    %sign3A = arith.constant 0 : i32
    %sign3A_7 = arith.cmpi sgt, %get3A_3, %sign3A : i32
    %sign3A_8 = arith.extui %sign3A_7 : i1 to i32
    %sign3A_9 = arith.constant 0 : i32
    %sign3A_10 = arith.cmpi slt, %get3A_3, %sign3A_9 : i32
    %sign3A_11 = arith.extui %sign3A_10 : i1 to i32
    %sign3A_12 = arith.subi %sign3A_8, %sign3A_11 : i32
    %sign3A_13 = arith.constant 0 : i32
    %sign3A_14 = arith.cmpi sgt, %jit3A, %sign3A_13 : i32
    %sign3A_15 = arith.extui %sign3A_14 : i1 to i32
    %sign3A_16 = arith.constant 0 : i32
    %sign3A_17 = arith.cmpi slt, %jit3A, %sign3A_16 : i32
    %sign3A_18 = arith.extui %sign3A_17 : i1 to i32
    %sign3A_19 = arith.subi %sign3A_15, %sign3A_18 : i32
    %ne3A = arith.cmpi ne, %sign3A_12, %sign3A_19 : i32
    %rem3A = arith.remsi %get3A_3, %jit3A : i32
    %ne3A_20 = arith.constant 0 : i32
    %ne3A_21 = arith.cmpi ne, %rem3A, %ne3A_20 : i32
    %and3A = arith.andi %ne3A, %ne3A_21 : i1
    %sub3A = arith.constant 1 : i32
    %sub3A_22 = arith.subi %div3A, %sub3A : i32
    %select_n3A = arith.select %and3A, %sub3A_22, %div3A : i32
    %mul3A_23 = arith.constant 8 : i32
    %mul3A_24 = arith.muli %select_n3A, %mul3A_23 : i32
    %sub3A_25 = arith.subi %get3A_3, %mul3A_24 : i32
    %jit3A_26 = arith.constant 128 : i32
    %div3A_27 = arith.divsi %get3A_6, %jit3A_26 : i32
    %sign3A_28 = arith.constant 0 : i32
    %sign3A_29 = arith.cmpi sgt, %get3A_6, %sign3A_28 : i32
    %sign3A_30 = arith.extui %sign3A_29 : i1 to i32
    %sign3A_31 = arith.constant 0 : i32
    %sign3A_32 = arith.cmpi slt, %get3A_6, %sign3A_31 : i32
    %sign3A_33 = arith.extui %sign3A_32 : i1 to i32
    %sign3A_34 = arith.subi %sign3A_30, %sign3A_33 : i32
    %sign3A_35 = arith.constant 0 : i32
    %sign3A_36 = arith.cmpi sgt, %jit3A_26, %sign3A_35 : i32
    %sign3A_37 = arith.extui %sign3A_36 : i1 to i32
    %sign3A_38 = arith.constant 0 : i32
    %sign3A_39 = arith.cmpi slt, %jit3A_26, %sign3A_38 : i32
    %sign3A_40 = arith.extui %sign3A_39 : i1 to i32
    %sign3A_41 = arith.subi %sign3A_37, %sign3A_40 : i32
    %ne3A_42 = arith.cmpi ne, %sign3A_34, %sign3A_41 : i32
    %rem3A_43 = arith.remsi %get3A_6, %jit3A_26 : i32
    %ne3A_44 = arith.constant 0 : i32
    %ne3A_45 = arith.cmpi ne, %rem3A_43, %ne3A_44 : i32
    %and3A_46 = arith.andi %ne3A_42, %ne3A_45 : i1
    %sub3A_47 = arith.constant 1 : i32
    %sub3A_48 = arith.subi %div3A_27, %sub3A_47 : i32
    %select_n3A_49 = arith.select %and3A_46, %sub3A_48, %div3A_27 : i32
    %mul3A_50 = arith.constant 128 : i32
    %mul3A_51 = arith.muli %select_n3A_49, %mul3A_50 : i32
    %sub3A_52 = arith.subi %get3A_6, %mul3A_51 : i32
    %get3A_53 = arith.constant 0 : index
    %get3A_54 = arith.index_cast %mul3A_24 : i32 to index
    %get3A_55 = arith.index_cast %mul3A_51 : i32 to index
    %get3A_56 = vector.load %arg2[%get3A_53, %get3A_54, %get3A_55] : memref<1x1024x1024xf32, #tpu.memory_space<vmem>>, vector<1x136x256xf32>
    %get3A_57 = vector.shape_cast %get3A_56 : vector<1x136x256xf32> to vector<136x256xf32>
    %sub3A_58 = arith.constant 136 : i32
    %sub3A_59 = arith.subi %sub3A_58, %sub3A_25 : i32
    %roll3A = tpu.dynamic_rotate %get3A_57 by %sub3A_59 dim 0 : vector<136x256xf32>, i32 -> vector<136x256xf32>
    %sub3A_60 = arith.constant 256 : i32
    %sub3A_61 = arith.subi %sub3A_60, %sub3A_52 : i32
    %roll3A_62 = tpu.dynamic_rotate %roll3A by %sub3A_61 dim 1 : vector<136x256xf32>, i32 -> vector<136x256xf32>
    %get3A_63 = arith.constant 0 : index
    %get3A_64 = arith.constant 0 : index
    %get3A_65 = arith.constant 0 : index
    %get3A_66 = arith.constant 0 : index
    %get3A_67 = vector.load %arg3[%get3A_63, %get3A_64, %get3A_65, %get3A_66] : memref<8x1x128x128xf32, #tpu.memory_space<vmem>>, vector<1x1x128x128xf32>
    %get3A_68 = vector.shape_cast %get3A_67 : vector<1x1x128x128xf32> to vector<128x128xf32>
    %slice3A = vector.extract_strided_slice %roll3A_62 {offsets = [0, 0], sizes = [128, 128], strides = [1, 1]} : vector<136x256xf32> to vector<128x128xf32>
    %mul3A_69 = arith.mulf %get3A_68, %slice3A : vector<128x128xf32>
    %swap3A = arith.constant 0 : index
    %swap3A_70 = arith.constant 0 : index
    %swap3A_71 = arith.constant 0 : index
    %swap3A_72 = arith.constant 0 : index
    %swap3A_73 = vector.load %arg4[%swap3A, %swap3A_70, %swap3A_71, %swap3A_72] : memref<8x1x128x128xf32, #tpu.memory_space<vmem>>, vector<1x1x128x128xf32>
    %swap3A_74 = vector.shape_cast %swap3A_73 : vector<1x1x128x128xf32> to vector<128x128xf32>
    %swap3A_75 = vector.shape_cast %mul3A_69 : vector<128x128xf32> to vector<1x1x128x128xf32>
    tpu.vector_store %arg4[%swap3A, %swap3A_70, %swap3A_71, %swap3A_72], %swap3A_75 {strides = array<i32>} : memref<8x1x128x128xf32, #tpu.memory_space<vmem>>, vector<1x1x128x128xf32>,
    %mul3A_76 = arith.constant 8 : i32
    %mul3A_77 = arith.muli %arg0, %mul3A_76 : i32
    %add3A_78 = arith.constant 1 : i32
    %add3A_79 = arith.addi %mul3A_77, %add3A_78 : i32
    %get3A_80 = arith.index_cast %add3A_79 : i32 to index
    %get3A_81 = arith.constant 0 : index
    %get3A_82 = memref.load %arg1[%get3A_80, %get3A_81] : memref<256x2xi32, #tpu.memory_space<smem>>
    %get3A_83 = arith.index_cast %add3A_79 : i32 to index
    %get3A_84 = arith.constant 1 : index
    %get3A_85 = memref.load %arg1[%get3A_83, %get3A_84] : memref<256x2xi32, #tpu.memory_space<smem>>
    %jit3A_86 = arith.constant 8 : i32
    %div3A_87 = arith.divsi %get3A_82, %jit3A_86 : i32
    %sign3A_88 = arith.constant 0 : i32
    %sign3A_89 = arith.cmpi sgt, %get3A_82, %sign3A_88 : i32
    %sign3A_90 = arith.extui %sign3A_89 : i1 to i32
    %sign3A_91 = arith.constant 0 : i32
    %sign3A_92 = arith.cmpi slt, %get3A_82, %sign3A_91 : i32
    %sign3A_93 = arith.extui %sign3A_92 : i1 to i32
    %sign3A_94 = arith.subi %sign3A_90, %sign3A_93 : i32
    %sign3A_95 = arith.constant 0 : i32
    %sign3A_96 = arith.cmpi sgt, %jit3A_86, %sign3A_95 : i32
    %sign3A_97 = arith.extui %sign3A_96 : i1 to i32
    %sign3A_98 = arith.constant 0 : i32
    %sign3A_99 = arith.cmpi slt, %jit3A_86, %sign3A_98 : i32
    %sign3A_100 = arith.extui %sign3A_99 : i1 to i32
    %sign3A_101 = arith.subi %sign3A_97, %sign3A_100 : i32
    %ne3A_102 = arith.cmpi ne, %sign3A_94, %sign3A_101 : i32
    %rem3A_103 = arith.remsi %get3A_82, %jit3A_86 : i32
    %ne3A_104 = arith.constant 0 : i32
    %ne3A_105 = arith.cmpi ne, %rem3A_103, %ne3A_104 : i32
    %and3A_106 = arith.andi %ne3A_102, %ne3A_105 : i1
    %sub3A_107 = arith.constant 1 : i32
    %sub3A_108 = arith.subi %div3A_87, %sub3A_107 : i32
    %select_n3A_109 = arith.select %and3A_106, %sub3A_108, %div3A_87 : i32
    %mul3A_110 = arith.constant 8 : i32
    %mul3A_111 = arith.muli %select_n3A_109, %mul3A_110 : i32
    %sub3A_112 = arith.subi %get3A_82, %mul3A_111 : i32
    %jit3A_113 = arith.constant 128 : i32
    %div3A_114 = arith.divsi %get3A_85, %jit3A_113 : i32
    %sign3A_115 = arith.constant 0 : i32
    %sign3A_116 = arith.cmpi sgt, %get3A_85, %sign3A_115 : i32
    %sign3A_117 = arith.extui %sign3A_116 : i1 to i32
    %sign3A_118 = arith.constant 0 : i32
    %sign3A_119 = arith.cmpi slt, %get3A_85, %sign3A_118 : i32
    %sign3A_120 = arith.extui %sign3A_119 : i1 to i32
    %sign3A_121 = arith.subi %sign3A_117, %sign3A_120 : i32
    %sign3A_122 = arith.constant 0 : i32
    %sign3A_123 = arith.cmpi sgt, %jit3A_113, %sign3A_122 : i32
    %sign3A_124 = arith.extui %sign3A_123 : i1 to i32
    %sign3A_125 = arith.constant 0 : i32
    %sign3A_126 = arith.cmpi slt, %jit3A_113, %sign3A_125 : i32
    %sign3A_127 = arith.extui %sign3A_126 : i1 to i32
    %sign3A_128 = arith.subi %sign3A_124, %sign3A_127 : i32
    %ne3A_129 = arith.cmpi ne, %sign3A_121, %sign3A_128 : i32
    %rem3A_130 = arith.remsi %get3A_85, %jit3A_113 : i32
    %ne3A_131 = arith.constant 0 : i32
    %ne3A_132 = arith.cmpi ne, %rem3A_130, %ne3A_131 : i32
    %and3A_133 = arith.andi %ne3A_129, %ne3A_132 : i1
    %sub3A_134 = arith.constant 1 : i32
    %sub3A_135 = arith.subi %div3A_114, %sub3A_134 : i32
    %select_n3A_136 = arith.select %and3A_133, %sub3A_135, %div3A_114 : i32
    %mul3A_137 = arith.constant 128 : i32
    %mul3A_138 = arith.muli %select_n3A_136, %mul3A_137 : i32
    %sub3A_139 = arith.subi %get3A_85, %mul3A_138 : i32
    %get3A_140 = arith.constant 0 : index
    %get3A_141 = arith.index_cast %mul3A_111 : i32 to index
    %get3A_142 = arith.index_cast %mul3A_138 : i32 to index
    %get3A_143 = vector.load %arg2[%get3A_140, %get3A_141, %get3A_142] : memref<1x1024x1024xf32, #tpu.memory_space<vmem>>, vector<1x136x256xf32>
    %get3A_144 = vector.shape_cast %get3A_143 : vector<1x136x256xf32> to vector<136x256xf32>
    %sub3A_145 = arith.constant 136 : i32
    %sub3A_146 = arith.subi %sub3A_145, %sub3A_112 : i32
    %roll3A_147 = tpu.dynamic_rotate %get3A_144 by %sub3A_146 dim 0 : vector<136x256xf32>, i32 -> vector<136x256xf32>
    %sub3A_148 = arith.constant 256 : i32
    %sub3A_149 = arith.subi %sub3A_148, %sub3A_139 : i32
    %roll3A_150 = tpu.dynamic_rotate %roll3A_147 by %sub3A_149 dim 1 : vector<136x256xf32>, i32 -> vector<136x256xf32>
    %get3A_151 = arith.constant 1 : index
    %get3A_152 = arith.constant 0 : index
    %get3A_153 = arith.constant 0 : index
    %get3A_154 = arith.constant 0 : index
    %get3A_155 = vector.load %arg3[%get3A_151, %get3A_152, %get3A_153, %get3A_154] : memref<8x1x128x128xf32, #tpu.memory_space<vmem>>, vector<1x1x128x128xf32>
    %get3A_156 = vector.shape_cast %get3A_155 : vector<1x1x128x128xf32> to vector<128x128xf32>
    %slice3A_157 = vector.extract_strided_slice %roll3A_150 {offsets = [0, 0], sizes = [128, 128], strides = [1, 1]} : vector<136x256xf32> to vector<128x128xf32>
    %mul3A_158 = arith.mulf %get3A_156, %slice3A_157 : vector<128x128xf32>
    %swap3A_159 = arith.constant 1 : index
    %swap3A_160 = arith.constant 0 : index
    %swap3A_161 = arith.constant 0 : index
    %swap3A_162 = arith.constant 0 : index
    %swap3A_163 = vector.load %arg4[%swap3A_159, %swap3A_160, %swap3A_161, %swap3A_162] : memref<8x1x128x128xf32, #tpu.memory_space<vmem>>, vector<1x1x128x128xf32>
    %swap3A_164 = vector.shape_cast %swap3A_163 : vector<1x1x128x128xf32> to vector<128x128xf32>
    %swap3A_165 = vector.shape_cast %mul3A_158 : vector<128x128xf32> to vector<1x1x128x128xf32>
    tpu.vector_store %arg4[%swap3A_159, %swap3A_160, %swap3A_161, %swap3A_162], %swap3A_165 {strides = array<i32>} : memref<8x1x128x128xf32, #tpu.memory_space<vmem>>, vector<1x1x128x128xf32>,
    %mul3A_166 = arith.constant 8 : i32
    %mul3A_167 = arith.muli %arg0, %mul3A_166 : i32
    %add3A_168 = arith.constant 2 : i32
    %add3A_169 = arith.addi %mul3A_167, %add3A_168 : i32
    %get3A_170 = arith.index_cast %add3A_169 : i32 to index
    %get3A_171 = arith.constant 0 : index
    %get3A_172 = memref.load %arg1[%get3A_170, %get3A_171] : memref<256x2xi32, #tpu.memory_space<smem>>
    %get3A_173 = arith.index_cast %add3A_169 : i32 to index
    %get3A_174 = arith.constant 1 : index
    %get3A_175 = memref.load %arg1[%get3A_173, %get3A_174] : memref<256x2xi32, #tpu.memory_space<smem>>
    %jit3A_176 = arith.constant 8 : i32
    %div3A_177 = arith.divsi %get3A_172, %jit3A_176 : i32
    %sign3A_178 = arith.constant 0 : i32
    %sign3A_179 = arith.cmpi sgt, %get3A_172, %sign3A_178 : i32
    %sign3A_180 = arith.extui %sign3A_179 : i1 to i32
    %sign3A_181 = arith.constant 0 : i32
    %sign3A_182 = arith.cmpi slt, %get3A_172, %sign3A_181 : i32
    %sign3A_183 = arith.extui %sign3A_182 : i1 to i32
    %sign3A_184 = arith.subi %sign3A_180, %sign3A_183 : i32
    %sign3A_185 = arith.constant 0 : i32
    %sign3A_186 = arith.cmpi sgt, %jit3A_176, %sign3A_185 : i32
    %sign3A_187 = arith.extui %sign3A_186 : i1 to i32
    %sign3A_188 = arith.constant 0 : i32
    %sign3A_189 = arith.cmpi slt, %jit3A_176, %sign3A_188 : i32
    %sign3A_190 = arith.extui %sign3A_189 : i1 to i32
    %sign3A_191 = arith.subi %sign3A_187, %sign3A_190 : i32
    %ne3A_192 = arith.cmpi ne, %sign3A_184, %sign3A_191 : i32
    %rem3A_193 = arith.remsi %get3A_172, %jit3A_176 : i32
    %ne3A_194 = arith.constant 0 : i32
    %ne3A_195 = arith.cmpi ne, %rem3A_193, %ne3A_194 : i32
    %and3A_196 = arith.andi %ne3A_192, %ne3A_195 : i1
    %sub3A_197 = arith.constant 1 : i32
    %sub3A_198 = arith.subi %div3A_177, %sub3A_197 : i32
    %select_n3A_199 = arith.select %and3A_196, %sub3A_198, %div3A_177 : i32
    %mul3A_200 = arith.constant 8 : i32
    %mul3A_201 = arith.muli %select_n3A_199, %mul3A_200 : i32
    %sub3A_202 = arith.subi %get3A_172, %mul3A_201 : i32
    %jit3A_203 = arith.constant 128 : i32
    %div3A_204 = arith.divsi %get3A_175, %jit3A_203 : i32
    %sign3A_205 = arith.constant 0 : i32
    %sign3A_206 = arith.cmpi sgt, %get3A_175, %sign3A_205 : i32
    %sign3A_207 = arith.extui %sign3A_206 : i1 to i32
    %sign3A_208 = arith.constant 0 : i32
    %sign3A_209 = arith.cmpi slt, %get3A_175, %sign3A_208 : i32
    %sign3A_210 = arith.extui %sign3A_209 : i1 to i32
    %sign3A_211 = arith.subi %sign3A_207, %sign3A_210 : i32
    %sign3A_212 = arith.constant 0 : i32
    %sign3A_213 = arith.cmpi sgt, %jit3A_203, %sign3A_212 : i32
    %sign3A_214 = arith.extui %sign3A_213 : i1 to i32
    %sign3A_215 = arith.constant 0 : i32
    %sign3A_216 = arith.cmpi slt, %jit3A_203, %sign3A_215 : i32
    %sign3A_217 = arith.extui %sign3A_216 : i1 to i32
    %sign3A_218 = arith.subi %sign3A_214, %sign3A_217 : i32
    %ne3A_219 = arith.cmpi ne, %sign3A_211, %sign3A_218 : i32
    %rem3A_220 = arith.remsi %get3A_175, %jit3A_203 : i32
    %ne3A_221 = arith.constant 0 : i32
    %ne3A_222 = arith.cmpi ne, %rem3A_220, %ne3A_221 : i32
    %and3A_223 = arith.andi %ne3A_219, %ne3A_222 : i1
    %sub3A_224 = arith.constant 1 : i32
    %sub3A_225 = arith.subi %div3A_204, %sub3A_224 : i32
    %select_n3A_226 = arith.select %and3A_223, %sub3A_225, %div3A_204 : i32
    %mul3A_227 = arith.constant 128 : i32
    %mul3A_228 = arith.muli %select_n3A_226, %mul3A_227 : i32
    %sub3A_229 = arith.subi %get3A_175, %mul3A_228 : i32
    %get3A_230 = arith.constant 0 : index
    %get3A_231 = arith.index_cast %mul3A_201 : i32 to index
    %get3A_232 = arith.index_cast %mul3A_228 : i32 to index
    %get3A_233 = vector.load %arg2[%get3A_230, %get3A_231, %get3A_232] : memref<1x1024x1024xf32, #tpu.memory_space<vmem>>, vector<1x136x256xf32>
    %get3A_234 = vector.shape_cast %get3A_233 : vector<1x136x256xf32> to vector<136x256xf32>
    %sub3A_235 = arith.constant 136 : i32
    %sub3A_236 = arith.subi %sub3A_235, %sub3A_202 : i32
    %roll3A_237 = tpu.dynamic_rotate %get3A_234 by %sub3A_236 dim 0 : vector<136x256xf32>, i32 -> vector<136x256xf32>
    %sub3A_238 = arith.constant 256 : i32
    %sub3A_239 = arith.subi %sub3A_238, %sub3A_229 : i32
    %roll3A_240 = tpu.dynamic_rotate %roll3A_237 by %sub3A_239 dim 1 : vector<136x256xf32>, i32 -> vector<136x256xf32>
    %get3A_241 = arith.constant 2 : index
    %get3A_242 = arith.constant 0 : index
    %get3A_243 = arith.constant 0 : index
    %get3A_244 = arith.constant 0 : index
    %get3A_245 = vector.load %arg3[%get3A_241, %get3A_242, %get3A_243, %get3A_244] : memref<8x1x128x128xf32, #tpu.memory_space<vmem>>, vector<1x1x128x128xf32>
    %get3A_246 = vector.shape_cast %get3A_245 : vector<1x1x128x128xf32> to vector<128x128xf32>
    %slice3A_247 = vector.extract_strided_slice %roll3A_240 {offsets = [0, 0], sizes = [128, 128], strides = [1, 1]} : vector<136x256xf32> to vector<128x128xf32>
    %mul3A_248 = arith.mulf %get3A_246, %slice3A_247 : vector<128x128xf32>
    %swap3A_249 = arith.constant 2 : index
    %swap3A_250 = arith.constant 0 : index
    %swap3A_251 = arith.constant 0 : index
    %swap3A_252 = arith.constant 0 : index
    %swap3A_253 = vector.load %arg4[%swap3A_249, %swap3A_250, %swap3A_251, %swap3A_252] : memref<8x1x128x128xf32, #tpu.memory_space<vmem>>, vector<1x1x128x128xf32>
    %swap3A_254 = vector.shape_cast %swap3A_253 : vector<1x1x128x128xf32> to vector<128x128xf32>
    %swap3A_255 = vector.shape_cast %mul3A_248 : vector<128x128xf32> to vector<1x1x128x128xf32>
    tpu.vector_store %arg4[%swap3A_249, %swap3A_250, %swap3A_251, %swap3A_252], %swap3A_255 {strides = array<i32>} : memref<8x1x128x128xf32, #tpu.memory_space<vmem>>, vector<1x1x128x128xf32>,
    %mul3A_256 = arith.constant 8 : i32
    %mul3A_257 = arith.muli %arg0, %mul3A_256 : i32
    %add3A_258 = arith.constant 3 : i32
    %add3A_259 = arith.addi %mul3A_257, %add3A_258 : i32
    %get3A_260 = arith.index_cast %add3A_259 : i32 to index
    %get3A_261 = arith.constant 0 : index
    %get3A_262 = memref.load %arg1[%get3A_260, %get3A_261] : memref<256x2xi32, #tpu.memory_space<smem>>
    %get3A_263 = arith.index_cast %add3A_259 : i32 to index
    %get3A_264 = arith.constant 1 : index
    %get3A_265 = memref.load %arg1[%get3A_263, %get3A_264] : memref<256x2xi32, #tpu.memory_space<smem>>
    %jit3A_266 = arith.constant 8 : i32
    %div3A_267 = arith.divsi %get3A_262, %jit3A_266 : i32
    %sign3A_268 = arith.constant 0 : i32
    %sign3A_269 = arith.cmpi sgt, %get3A_262, %sign3A_268 : i32
    %sign3A_270 = arith.extui %sign3A_269 : i1 to i32
    %sign3A_271 = arith.constant 0 : i32
    %sign3A_272 = arith.cmpi slt, %get3A_262, %sign3A_271 : i32
    %sign3A_273 = arith.extui %sign3A_272 : i1 to i32
    %sign3A_274 = arith.subi %sign3A_270, %sign3A_273 : i32
    %sign3A_275 = arith.constant 0 : i32
    %sign3A_276 = arith.cmpi sgt, %jit3A_266, %sign3A_275 : i32
    %sign3A_277 = arith.extui %sign3A_276 : i1 to i32
    %sign3A_278 = arith.constant 0 : i32
    %sign3A_279 = arith.cmpi slt, %jit3A_266, %sign3A_278 : i32
    %sign3A_280 = arith.extui %sign3A_279 : i1 to i32
    %sign3A_281 = arith.subi %sign3A_277, %sign3A_280 : i32
    %ne3A_282 = arith.cmpi ne, %sign3A_274, %sign3A_281 : i32
    %rem3A_283 = arith.remsi %get3A_262, %jit3A_266 : i32
    %ne3A_284 = arith.constant 0 : i32
    %ne3A_285 = arith.cmpi ne, %rem3A_283, %ne3A_284 : i32
    %and3A_286 = arith.andi %ne3A_282, %ne3A_285 : i1
    %sub3A_287 = arith.constant 1 : i32
    %sub3A_288 = arith.subi %div3A_267, %sub3A_287 : i32
    %select_n3A_289 = arith.select %and3A_286, %sub3A_288, %div3A_267 : i32
    %mul3A_290 = arith.constant 8 : i32
    %mul3A_291 = arith.muli %select_n3A_289, %mul3A_290 : i32
    %sub3A_292 = arith.subi %get3A_262, %mul3A_291 : i32
    %jit3A_293 = arith.constant 128 : i32
    %div3A_294 = arith.divsi %get3A_265, %jit3A_293 : i32
    %sign3A_295 = arith.constant 0 : i32
    %sign3A_296 = arith.cmpi sgt, %get3A_265, %sign3A_295 : i32
    %sign3A_297 = arith.extui %sign3A_296 : i1 to i32
    %sign3A_298 = arith.constant 0 : i32
    %sign3A_299 = arith.cmpi slt, %get3A_265, %sign3A_298 : i32
    %sign3A_300 = arith.extui %sign3A_299 : i1 to i32
    %sign3A_301 = arith.subi %sign3A_297, %sign3A_300 : i32
    %sign3A_302 = arith.constant 0 : i32
    %sign3A_303 = arith.cmpi sgt, %jit3A_293, %sign3A_302 : i32
    %sign3A_304 = arith.extui %sign3A_303 : i1 to i32
    %sign3A_305 = arith.constant 0 : i32
    %sign3A_306 = arith.cmpi slt, %jit3A_293, %sign3A_305 : i32
    %sign3A_307 = arith.extui %sign3A_306 : i1 to i32
    %sign3A_308 = arith.subi %sign3A_304, %sign3A_307 : i32
    %ne3A_309 = arith.cmpi ne, %sign3A_301, %sign3A_308 : i32
    %rem3A_310 = arith.remsi %get3A_265, %jit3A_293 : i32
    %ne3A_311 = arith.constant 0 : i32
    %ne3A_312 = arith.cmpi ne, %rem3A_310, %ne3A_311 : i32
    %and3A_313 = arith.andi %ne3A_309, %ne3A_312 : i1
    %sub3A_314 = arith.constant 1 : i32
    %sub3A_315 = arith.subi %div3A_294, %sub3A_314 : i32
    %select_n3A_316 = arith.select %and3A_313, %sub3A_315, %div3A_294 : i32
    %mul3A_317 = arith.constant 128 : i32
    %mul3A_318 = arith.muli %select_n3A_316, %mul3A_317 : i32
    %sub3A_319 = arith.subi %get3A_265, %mul3A_318 : i32
    %get3A_320 = arith.constant 0 : index
    %get3A_321 = arith.index_cast %mul3A_291 : i32 to index
    %get3A_322 = arith.index_cast %mul3A_318 : i32 to index
    %get3A_323 = vector.load %arg2[%get3A_320, %get3A_321, %get3A_322] : memref<1x1024x1024xf32, #tpu.memory_space<vmem>>, vector<1x136x256xf32>
    %get3A_324 = vector.shape_cast %get3A_323 : vector<1x136x256xf32> to vector<136x256xf32>
    %sub3A_325 = arith.constant 136 : i32
    %sub3A_326 = arith.subi %sub3A_325, %sub3A_292 : i32
    %roll3A_327 = tpu.dynamic_rotate %get3A_324 by %sub3A_326 dim 0 : vector<136x256xf32>, i32 -> vector<136x256xf32>
    %sub3A_328 = arith.constant 256 : i32
    %sub3A_329 = arith.subi %sub3A_328, %sub3A_319 : i32
    %roll3A_330 = tpu.dynamic_rotate %roll3A_327 by %sub3A_329 dim 1 : vector<136x256xf32>, i32 -> vector<136x256xf32>
    %get3A_331 = arith.constant 3 : index
    %get3A_332 = arith.constant 0 : index
    %get3A_333 = arith.constant 0 : index
    %get3A_334 = arith.constant 0 : index
    %get3A_335 = vector.load %arg3[%get3A_331, %get3A_332, %get3A_333, %get3A_334] : memref<8x1x128x128xf32, #tpu.memory_space<vmem>>, vector<1x1x128x128xf32>
    %get3A_336 = vector.shape_cast %get3A_335 : vector<1x1x128x128xf32> to vector<128x128xf32>
    %slice3A_337 = vector.extract_strided_slice %roll3A_330 {offsets = [0, 0], sizes = [128, 128], strides = [1, 1]} : vector<136x256xf32> to vector<128x128xf32>
    %mul3A_338 = arith.mulf %get3A_336, %slice3A_337 : vector<128x128xf32>
    %swap3A_339 = arith.constant 3 : index
    %swap3A_340 = arith.constant 0 : index
    %swap3A_341 = arith.constant 0 : index
    %swap3A_342 = arith.constant 0 : index
    %swap3A_343 = vector.load %arg4[%swap3A_339, %swap3A_340, %swap3A_341, %swap3A_342] : memref<8x1x128x128xf32, #tpu.memory_space<vmem>>, vector<1x1x128x128xf32>
    %swap3A_344 = vector.shape_cast %swap3A_343 : vector<1x1x128x128xf32> to vector<128x128xf32>
    %swap3A_345 = vector.shape_cast %mul3A_338 : vector<128x128xf32> to vector<1x1x128x128xf32>
    tpu.vector_store %arg4[%swap3A_339, %swap3A_340, %swap3A_341, %swap3A_342], %swap3A_345 {strides = array<i32>} : memref<8x1x128x128xf32, #tpu.memory_space<vmem>>, vector<1x1x128x128xf32>,
    %mul3A_346 = arith.constant 8 : i32
    %mul3A_347 = arith.muli %arg0, %mul3A_346 : i32
    %add3A_348 = arith.constant 4 : i32
    %add3A_349 = arith.addi %mul3A_347, %add3A_348 : i32
    %get3A_350 = arith.index_cast %add3A_349 : i32 to index
    %get3A_351 = arith.constant 0 : index
    %get3A_352 = memref.load %arg1[%get3A_350, %get3A_351] : memref<256x2xi32, #tpu.memory_space<smem>>
    %get3A_353 = arith.index_cast %add3A_349 : i32 to index
    %get3A_354 = arith.constant 1 : index
    %get3A_355 = memref.load %arg1[%get3A_353, %get3A_354] : memref<256x2xi32, #tpu.memory_space<smem>>
    %jit3A_356 = arith.constant 8 : i32
    %div3A_357 = arith.divsi %get3A_352, %jit3A_356 : i32
    %sign3A_358 = arith.constant 0 : i32
    %sign3A_359 = arith.cmpi sgt, %get3A_352, %sign3A_358 : i32
    %sign3A_360 = arith.extui %sign3A_359 : i1 to i32
    %sign3A_361 = arith.constant 0 : i32
    %sign3A_362 = arith.cmpi slt, %get3A_352, %sign3A_361 : i32
    %sign3A_363 = arith.extui %sign3A_362 : i1 to i32
    %sign3A_364 = arith.subi %sign3A_360, %sign3A_363 : i32
    %sign3A_365 = arith.constant 0 : i32
    %sign3A_366 = arith.cmpi sgt, %jit3A_356, %sign3A_365 : i32
    %sign3A_367 = arith.extui %sign3A_366 : i1 to i32
    %sign3A_368 = arith.constant 0 : i32
    %sign3A_369 = arith.cmpi slt, %jit3A_356, %sign3A_368 : i32
    %sign3A_370 = arith.extui %sign3A_369 : i1 to i32
    %sign3A_371 = arith.subi %sign3A_367, %sign3A_370 : i32
    %ne3A_372 = arith.cmpi ne, %sign3A_364, %sign3A_371 : i32
    %rem3A_373 = arith.remsi %get3A_352, %jit3A_356 : i32
    %ne3A_374 = arith.constant 0 : i32
    %ne3A_375 = arith.cmpi ne, %rem3A_373, %ne3A_374 : i32
    %and3A_376 = arith.andi %ne3A_372, %ne3A_375 : i1
    %sub3A_377 = arith.constant 1 : i32
    %sub3A_378 = arith.subi %div3A_357, %sub3A_377 : i32
    %select_n3A_379 = arith.select %and3A_376, %sub3A_378, %div3A_357 : i32
    %mul3A_380 = arith.constant 8 : i32
    %mul3A_381 = arith.muli %select_n3A_379, %mul3A_380 : i32
    %sub3A_382 = arith.subi %get3A_352, %mul3A_381 : i32
    %jit3A_383 = arith.constant 128 : i32
    %div3A_384 = arith.divsi %get3A_355, %jit3A_383 : i32
    %sign3A_385 = arith.constant 0 : i32
    %sign3A_386 = arith.cmpi sgt, %get3A_355, %sign3A_385 : i32
    %sign3A_387 = arith.extui %sign3A_386 : i1 to i32
    %sign3A_388 = arith.constant 0 : i32
    %sign3A_389 = arith.cmpi slt, %get3A_355, %sign3A_388 : i32
    %sign3A_390 = arith.extui %sign3A_389 : i1 to i32
    %sign3A_391 = arith.subi %sign3A_387, %sign3A_390 : i32
    %sign3A_392 = arith.constant 0 : i32
    %sign3A_393 = arith.cmpi sgt, %jit3A_383, %sign3A_392 : i32
    %sign3A_394 = arith.extui %sign3A_393 : i1 to i32
    %sign3A_395 = arith.constant 0 : i32
    %sign3A_396 = arith.cmpi slt, %jit3A_383, %sign3A_395 : i32
    %sign3A_397 = arith.extui %sign3A_396 : i1 to i32
    %sign3A_398 = arith.subi %sign3A_394, %sign3A_397 : i32
    %ne3A_399 = arith.cmpi ne, %sign3A_391, %sign3A_398 : i32
    %rem3A_400 = arith.remsi %get3A_355, %jit3A_383 : i32
    %ne3A_401 = arith.constant 0 : i32
    %ne3A_402 = arith.cmpi ne, %rem3A_400, %ne3A_401 : i32
    %and3A_403 = arith.andi %ne3A_399, %ne3A_402 : i1
    %sub3A_404 = arith.constant 1 : i32
    %sub3A_405 = arith.subi %div3A_384, %sub3A_404 : i32
    %select_n3A_406 = arith.select %and3A_403, %sub3A_405, %div3A_384 : i32
    %mul3A_407 = arith.constant 128 : i32
    %mul3A_408 = arith.muli %select_n3A_406, %mul3A_407 : i32
    %sub3A_409 = arith.subi %get3A_355, %mul3A_408 : i32
    %get3A_410 = arith.constant 0 : index
    %get3A_411 = arith.index_cast %mul3A_381 : i32 to index
    %get3A_412 = arith.index_cast %mul3A_408 : i32 to index
    %get3A_413 = vector.load %arg2[%get3A_410, %get3A_411, %get3A_412] : memref<1x1024x1024xf32, #tpu.memory_space<vmem>>, vector<1x136x256xf32>
    %get3A_414 = vector.shape_cast %get3A_413 : vector<1x136x256xf32> to vector<136x256xf32>
    %sub3A_415 = arith.constant 136 : i32
    %sub3A_416 = arith.subi %sub3A_415, %sub3A_382 : i32
    %roll3A_417 = tpu.dynamic_rotate %get3A_414 by %sub3A_416 dim 0 : vector<136x256xf32>, i32 -> vector<136x256xf32>
    %sub3A_418 = arith.constant 256 : i32
    %sub3A_419 = arith.subi %sub3A_418, %sub3A_409 : i32
    %roll3A_420 = tpu.dynamic_rotate %roll3A_417 by %sub3A_419 dim 1 : vector<136x256xf32>, i32 -> vector<136x256xf32>
    %get3A_421 = arith.constant 4 : index
    %get3A_422 = arith.constant 0 : index
    %get3A_423 = arith.constant 0 : index
    %get3A_424 = arith.constant 0 : index
    %get3A_425 = vector.load %arg3[%get3A_421, %get3A_422, %get3A_423, %get3A_424] : memref<8x1x128x128xf32, #tpu.memory_space<vmem>>, vector<1x1x128x128xf32>
    %get3A_426 = vector.shape_cast %get3A_425 : vector<1x1x128x128xf32> to vector<128x128xf32>
    %slice3A_427 = vector.extract_strided_slice %roll3A_420 {offsets = [0, 0], sizes = [128, 128], strides = [1, 1]} : vector<136x256xf32> to vector<128x128xf32>
    %mul3A_428 = arith.mulf %get3A_426, %slice3A_427 : vector<128x128xf32>
    %swap3A_429 = arith.constant 4 : index
    %swap3A_430 = arith.constant 0 : index
    %swap3A_431 = arith.constant 0 : index
    %swap3A_432 = arith.constant 0 : index
    %swap3A_433 = vector.load %arg4[%swap3A_429, %swap3A_430, %swap3A_431, %swap3A_432] : memref<8x1x128x128xf32, #tpu.memory_space<vmem>>, vector<1x1x128x128xf32>
    %swap3A_434 = vector.shape_cast %swap3A_433 : vector<1x1x128x128xf32> to vector<128x128xf32>
    %swap3A_435 = vector.shape_cast %mul3A_428 : vector<128x128xf32> to vector<1x1x128x128xf32>
    tpu.vector_store %arg4[%swap3A_429, %swap3A_430, %swap3A_431, %swap3A_432], %swap3A_435 {strides = array<i32>} : memref<8x1x128x128xf32, #tpu.memory_space<vmem>>, vector<1x1x128x128xf32>,
    %mul3A_436 = arith.constant 8 : i32
    %mul3A_437 = arith.muli %arg0, %mul3A_436 : i32
    %add3A_438 = arith.constant 5 : i32
    %add3A_439 = arith.addi %mul3A_437, %add3A_438 : i32
    %get3A_440 = arith.index_cast %add3A_439 : i32 to index
    %get3A_441 = arith.constant 0 : index
    %get3A_442 = memref.load %arg1[%get3A_440, %get3A_441] : memref<256x2xi32, #tpu.memory_space<smem>>
    %get3A_443 = arith.index_cast %add3A_439 : i32 to index
    %get3A_444 = arith.constant 1 : index
    %get3A_445 = memref.load %arg1[%get3A_443, %get3A_444] : memref<256x2xi32, #tpu.memory_space<smem>>
    %jit3A_446 = arith.constant 8 : i32
    %div3A_447 = arith.divsi %get3A_442, %jit3A_446 : i32
    %sign3A_448 = arith.constant 0 : i32
    %sign3A_449 = arith.cmpi sgt, %get3A_442, %sign3A_448 : i32
    %sign3A_450 = arith.extui %sign3A_449 : i1 to i32
    %sign3A_451 = arith.constant 0 : i32
    %sign3A_452 = arith.cmpi slt, %get3A_442, %sign3A_451 : i32
    %sign3A_453 = arith.extui %sign3A_452 : i1 to i32
    %sign3A_454 = arith.subi %sign3A_450, %sign3A_453 : i32
    %sign3A_455 = arith.constant 0 : i32
    %sign3A_456 = arith.cmpi sgt, %jit3A_446, %sign3A_455 : i32
    %sign3A_457 = arith.extui %sign3A_456 : i1 to i32
    %sign3A_458 = arith.constant 0 : i32
    %sign3A_459 = arith.cmpi slt, %jit3A_446, %sign3A_458 : i32
    %sign3A_460 = arith.extui %sign3A_459 : i1 to i32
    %sign3A_461 = arith.subi %sign3A_457, %sign3A_460 : i32
    %ne3A_462 = arith.cmpi ne, %sign3A_454, %sign3A_461 : i32
    %rem3A_463 = arith.remsi %get3A_442, %jit3A_446 : i32
    %ne3A_464 = arith.constant 0 : i32
    %ne3A_465 = arith.cmpi ne, %rem3A_463, %ne3A_464 : i32
    %and3A_466 = arith.andi %ne3A_462, %ne3A_465 : i1
    %sub3A_467 = arith.constant 1 : i32
    %sub3A_468 = arith.subi %div3A_447, %sub3A_467 : i32
    %select_n3A_469 = arith.select %and3A_466, %sub3A_468, %div3A_447 : i32
    %mul3A_470 = arith.constant 8 : i32
    %mul3A_471 = arith.muli %select_n3A_469, %mul3A_470 : i32
    %sub3A_472 = arith.subi %get3A_442, %mul3A_471 : i32
    %jit3A_473 = arith.constant 128 : i32
    %div3A_474 = arith.divsi %get3A_445, %jit3A_473 : i32
    %sign3A_475 = arith.constant 0 : i32
    %sign3A_476 = arith.cmpi sgt, %get3A_445, %sign3A_475 : i32
    %sign3A_477 = arith.extui %sign3A_476 : i1 to i32
    %sign3A_478 = arith.constant 0 : i32
    %sign3A_479 = arith.cmpi slt, %get3A_445, %sign3A_478 : i32
    %sign3A_480 = arith.extui %sign3A_479 : i1 to i32
    %sign3A_481 = arith.subi %sign3A_477, %sign3A_480 : i32
    %sign3A_482 = arith.constant 0 : i32
    %sign3A_483 = arith.cmpi sgt, %jit3A_473, %sign3A_482 : i32
    %sign3A_484 = arith.extui %sign3A_483 : i1 to i32
    %sign3A_485 = arith.constant 0 : i32
    %sign3A_486 = arith.cmpi slt, %jit3A_473, %sign3A_485 : i32
    %sign3A_487 = arith.extui %sign3A_486 : i1 to i32
    %sign3A_488 = arith.subi %sign3A_484, %sign3A_487 : i32
    %ne3A_489 = arith.cmpi ne, %sign3A_481, %sign3A_488 : i32
    %rem3A_490 = arith.remsi %get3A_445, %jit3A_473 : i32
    %ne3A_491 = arith.constant 0 : i32
    %ne3A_492 = arith.cmpi ne, %rem3A_490, %ne3A_491 : i32
    %and3A_493 = arith.andi %ne3A_489, %ne3A_492 : i1
    %sub3A_494 = arith.constant 1 : i32
    %sub3A_495 = arith.subi %div3A_474, %sub3A_494 : i32
    %select_n3A_496 = arith.select %and3A_493, %sub3A_495, %div3A_474 : i32
    %mul3A_497 = arith.constant 128 : i32
    %mul3A_498 = arith.muli %select_n3A_496, %mul3A_497 : i32
    %sub3A_499 = arith.subi %get3A_445, %mul3A_498 : i32
    %get3A_500 = arith.constant 0 : index
    %get3A_501 = arith.index_cast %mul3A_471 : i32 to index
    %get3A_502 = arith.index_cast %mul3A_498 : i32 to index
    %get3A_503 = vector.load %arg2[%get3A_500, %get3A_501, %get3A_502] : memref<1x1024x1024xf32, #tpu.memory_space<vmem>>, vector<1x136x256xf32>
    %get3A_504 = vector.shape_cast %get3A_503 : vector<1x136x256xf32> to vector<136x256xf32>
    %sub3A_505 = arith.constant 136 : i32
    %sub3A_506 = arith.subi %sub3A_505, %sub3A_472 : i32
    %roll3A_507 = tpu.dynamic_rotate %get3A_504 by %sub3A_506 dim 0 : vector<136x256xf32>, i32 -> vector<136x256xf32>
    %sub3A_508 = arith.constant 256 : i32
    %sub3A_509 = arith.subi %sub3A_508, %sub3A_499 : i32
    %roll3A_510 = tpu.dynamic_rotate %roll3A_507 by %sub3A_509 dim 1 : vector<136x256xf32>, i32 -> vector<136x256xf32>
    %get3A_511 = arith.constant 5 : index
    %get3A_512 = arith.constant 0 : index
    %get3A_513 = arith.constant 0 : index
    %get3A_514 = arith.constant 0 : index
    %get3A_515 = vector.load %arg3[%get3A_511, %get3A_512, %get3A_513, %get3A_514] : memref<8x1x128x128xf32, #tpu.memory_space<vmem>>, vector<1x1x128x128xf32>
    %get3A_516 = vector.shape_cast %get3A_515 : vector<1x1x128x128xf32> to vector<128x128xf32>
    %slice3A_517 = vector.extract_strided_slice %roll3A_510 {offsets = [0, 0], sizes = [128, 128], strides = [1, 1]} : vector<136x256xf32> to vector<128x128xf32>
    %mul3A_518 = arith.mulf %get3A_516, %slice3A_517 : vector<128x128xf32>
    %swap3A_519 = arith.constant 5 : index
    %swap3A_520 = arith.constant 0 : index
    %swap3A_521 = arith.constant 0 : index
    %swap3A_522 = arith.constant 0 : index
    %swap3A_523 = vector.load %arg4[%swap3A_519, %swap3A_520, %swap3A_521, %swap3A_522] : memref<8x1x128x128xf32, #tpu.memory_space<vmem>>, vector<1x1x128x128xf32>
    %swap3A_524 = vector.shape_cast %swap3A_523 : vector<1x1x128x128xf32> to vector<128x128xf32>
    %swap3A_525 = vector.shape_cast %mul3A_518 : vector<128x128xf32> to vector<1x1x128x128xf32>
    tpu.vector_store %arg4[%swap3A_519, %swap3A_520, %swap3A_521, %swap3A_522], %swap3A_525 {strides = array<i32>} : memref<8x1x128x128xf32, #tpu.memory_space<vmem>>, vector<1x1x128x128xf32>,
    %mul3A_526 = arith.constant 8 : i32
    %mul3A_527 = arith.muli %arg0, %mul3A_526 : i32
    %add3A_528 = arith.constant 6 : i32
    %add3A_529 = arith.addi %mul3A_527, %add3A_528 : i32
    %get3A_530 = arith.index_cast %add3A_529 : i32 to index
    %get3A_531 = arith.constant 0 : index
    %get3A_532 = memref.load %arg1[%get3A_530, %get3A_531] : memref<256x2xi32, #tpu.memory_space<smem>>
    %get3A_533 = arith.index_cast %add3A_529 : i32 to index
    %get3A_534 = arith.constant 1 : index
    %get3A_535 = memref.load %arg1[%get3A_533, %get3A_534] : memref<256x2xi32, #tpu.memory_space<smem>>
    %jit3A_536 = arith.constant 8 : i32
    %div3A_537 = arith.divsi %get3A_532, %jit3A_536 : i32
    %sign3A_538 = arith.constant 0 : i32
    %sign3A_539 = arith.cmpi sgt, %get3A_532, %sign3A_538 : i32
    %sign3A_540 = arith.extui %sign3A_539 : i1 to i32
    %sign3A_541 = arith.constant 0 : i32
    %sign3A_542 = arith.cmpi slt, %get3A_532, %sign3A_541 : i32
    %sign3A_543 = arith.extui %sign3A_542 : i1 to i32
    %sign3A_544 = arith.subi %sign3A_540, %sign3A_543 : i32
    %sign3A_545 = arith.constant 0 : i32
    %sign3A_546 = arith.cmpi sgt, %jit3A_536, %sign3A_545 : i32
    %sign3A_547 = arith.extui %sign3A_546 : i1 to i32
    %sign3A_548 = arith.constant 0 : i32
    %sign3A_549 = arith.cmpi slt, %jit3A_536, %sign3A_548 : i32
    %sign3A_550 = arith.extui %sign3A_549 : i1 to i32
    %sign3A_551 = arith.subi %sign3A_547, %sign3A_550 : i32
    %ne3A_552 = arith.cmpi ne, %sign3A_544, %sign3A_551 : i32
    %rem3A_553 = arith.remsi %get3A_532, %jit3A_536 : i32
    %ne3A_554 = arith.constant 0 : i32
    %ne3A_555 = arith.cmpi ne, %rem3A_553, %ne3A_554 : i32
    %and3A_556 = arith.andi %ne3A_552, %ne3A_555 : i1
    %sub3A_557 = arith.constant 1 : i32
    %sub3A_558 = arith.subi %div3A_537, %sub3A_557 : i32
    %select_n3A_559 = arith.select %and3A_556, %sub3A_558, %div3A_537 : i32
    %mul3A_560 = arith.constant 8 : i32
    %mul3A_561 = arith.muli %select_n3A_559, %mul3A_560 : i32
    %sub3A_562 = arith.subi %get3A_532, %mul3A_561 : i32
    %jit3A_563 = arith.constant 128 : i32
    %div3A_564 = arith.divsi %get3A_535, %jit3A_563 : i32
    %sign3A_565 = arith.constant 0 : i32
    %sign3A_566 = arith.cmpi sgt, %get3A_535, %sign3A_565 : i32
    %sign3A_567 = arith.extui %sign3A_566 : i1 to i32
    %sign3A_568 = arith.constant 0 : i32
    %sign3A_569 = arith.cmpi slt, %get3A_535, %sign3A_568 : i32
    %sign3A_570 = arith.extui %sign3A_569 : i1 to i32
    %sign3A_571 = arith.subi %sign3A_567, %sign3A_570 : i32
    %sign3A_572 = arith.constant 0 : i32
    %sign3A_573 = arith.cmpi sgt, %jit3A_563, %sign3A_572 : i32
    %sign3A_574 = arith.extui %sign3A_573 : i1 to i32
    %sign3A_575 = arith.constant 0 : i32
    %sign3A_576 = arith.cmpi slt, %jit3A_563, %sign3A_575 : i32
    %sign3A_577 = arith.extui %sign3A_576 : i1 to i32
    %sign3A_578 = arith.subi %sign3A_574, %sign3A_577 : i32
    %ne3A_579 = arith.cmpi ne, %sign3A_571, %sign3A_578 : i32
    %rem3A_580 = arith.remsi %get3A_535, %jit3A_563 : i32
    %ne3A_581 = arith.constant 0 : i32
    %ne3A_582 = arith.cmpi ne, %rem3A_580, %ne3A_581 : i32
    %and3A_583 = arith.andi %ne3A_579, %ne3A_582 : i1
    %sub3A_584 = arith.constant 1 : i32
    %sub3A_585 = arith.subi %div3A_564, %sub3A_584 : i32
    %select_n3A_586 = arith.select %and3A_583, %sub3A_585, %div3A_564 : i32
    %mul3A_587 = arith.constant 128 : i32
    %mul3A_588 = arith.muli %select_n3A_586, %mul3A_587 : i32
    %sub3A_589 = arith.subi %get3A_535, %mul3A_588 : i32
    %get3A_590 = arith.constant 0 : index
    %get3A_591 = arith.index_cast %mul3A_561 : i32 to index
    %get3A_592 = arith.index_cast %mul3A_588 : i32 to index
    %get3A_593 = vector.load %arg2[%get3A_590, %get3A_591, %get3A_592] : memref<1x1024x1024xf32, #tpu.memory_space<vmem>>, vector<1x136x256xf32>
    %get3A_594 = vector.shape_cast %get3A_593 : vector<1x136x256xf32> to vector<136x256xf32>
    %sub3A_595 = arith.constant 136 : i32
    %sub3A_596 = arith.subi %sub3A_595, %sub3A_562 : i32
    %roll3A_597 = tpu.dynamic_rotate %get3A_594 by %sub3A_596 dim 0 : vector<136x256xf32>, i32 -> vector<136x256xf32>
    %sub3A_598 = arith.constant 256 : i32
    %sub3A_599 = arith.subi %sub3A_598, %sub3A_589 : i32
    %roll3A_600 = tpu.dynamic_rotate %roll3A_597 by %sub3A_599 dim 1 : vector<136x256xf32>, i32 -> vector<136x256xf32>
    %get3A_601 = arith.constant 6 : index
    %get3A_602 = arith.constant 0 : index
    %get3A_603 = arith.constant 0 : index
    %get3A_604 = arith.constant 0 : index
    %get3A_605 = vector.load %arg3[%get3A_601, %get3A_602, %get3A_603, %get3A_604] : memref<8x1x128x128xf32, #tpu.memory_space<vmem>>, vector<1x1x128x128xf32>
    %get3A_606 = vector.shape_cast %get3A_605 : vector<1x1x128x128xf32> to vector<128x128xf32>
    %slice3A_607 = vector.extract_strided_slice %roll3A_600 {offsets = [0, 0], sizes = [128, 128], strides = [1, 1]} : vector<136x256xf32> to vector<128x128xf32>
    %mul3A_608 = arith.mulf %get3A_606, %slice3A_607 : vector<128x128xf32>
    %swap3A_609 = arith.constant 6 : index
    %swap3A_610 = arith.constant 0 : index
    %swap3A_611 = arith.constant 0 : index
    %swap3A_612 = arith.constant 0 : index
    %swap3A_613 = vector.load %arg4[%swap3A_609, %swap3A_610, %swap3A_611, %swap3A_612] : memref<8x1x128x128xf32, #tpu.memory_space<vmem>>, vector<1x1x128x128xf32>
    %swap3A_614 = vector.shape_cast %swap3A_613 : vector<1x1x128x128xf32> to vector<128x128xf32>
    %swap3A_615 = vector.shape_cast %mul3A_608 : vector<128x128xf32> to vector<1x1x128x128xf32>
    tpu.vector_store %arg4[%swap3A_609, %swap3A_610, %swap3A_611, %swap3A_612], %swap3A_615 {strides = array<i32>} : memref<8x1x128x128xf32, #tpu.memory_space<vmem>>, vector<1x1x128x128xf32>,
    %mul3A_616 = arith.constant 8 : i32
    %mul3A_617 = arith.muli %arg0, %mul3A_616 : i32
    %add3A_618 = arith.constant 7 : i32
    %add3A_619 = arith.addi %mul3A_617, %add3A_618 : i32
    %get3A_620 = arith.index_cast %add3A_619 : i32 to index
    %get3A_621 = arith.constant 0 : index
    %get3A_622 = memref.load %arg1[%get3A_620, %get3A_621] : memref<256x2xi32, #tpu.memory_space<smem>>
    %get3A_623 = arith.index_cast %add3A_619 : i32 to index
    %get3A_624 = arith.constant 1 : index
    %get3A_625 = memref.load %arg1[%get3A_623, %get3A_624] : memref<256x2xi32, #tpu.memory_space<smem>>
    %jit3A_626 = arith.constant 8 : i32
    %div3A_627 = arith.divsi %get3A_622, %jit3A_626 : i32
    %sign3A_628 = arith.constant 0 : i32
    %sign3A_629 = arith.cmpi sgt, %get3A_622, %sign3A_628 : i32
    %sign3A_630 = arith.extui %sign3A_629 : i1 to i32
    %sign3A_631 = arith.constant 0 : i32
    %sign3A_632 = arith.cmpi slt, %get3A_622, %sign3A_631 : i32
    %sign3A_633 = arith.extui %sign3A_632 : i1 to i32
    %sign3A_634 = arith.subi %sign3A_630, %sign3A_633 : i32
    %sign3A_635 = arith.constant 0 : i32
    %sign3A_636 = arith.cmpi sgt, %jit3A_626, %sign3A_635 : i32
    %sign3A_637 = arith.extui %sign3A_636 : i1 to i32
    %sign3A_638 = arith.constant 0 : i32
    %sign3A_639 = arith.cmpi slt, %jit3A_626, %sign3A_638 : i32
    %sign3A_640 = arith.extui %sign3A_639 : i1 to i32
    %sign3A_641 = arith.subi %sign3A_637, %sign3A_640 : i32
    %ne3A_642 = arith.cmpi ne, %sign3A_634, %sign3A_641 : i32
    %rem3A_643 = arith.remsi %get3A_622, %jit3A_626 : i32
    %ne3A_644 = arith.constant 0 : i32
    %ne3A_645 = arith.cmpi ne, %rem3A_643, %ne3A_644 : i32
    %and3A_646 = arith.andi %ne3A_642, %ne3A_645 : i1
    %sub3A_647 = arith.constant 1 : i32
    %sub3A_648 = arith.subi %div3A_627, %sub3A_647 : i32
    %select_n3A_649 = arith.select %and3A_646, %sub3A_648, %div3A_627 : i32
    %mul3A_650 = arith.constant 8 : i32
    %mul3A_651 = arith.muli %select_n3A_649, %mul3A_650 : i32
    %sub3A_652 = arith.subi %get3A_622, %mul3A_651 : i32
    %jit3A_653 = arith.constant 128 : i32
    %div3A_654 = arith.divsi %get3A_625, %jit3A_653 : i32
    %sign3A_655 = arith.constant 0 : i32
    %sign3A_656 = arith.cmpi sgt, %get3A_625, %sign3A_655 : i32
    %sign3A_657 = arith.extui %sign3A_656 : i1 to i32
    %sign3A_658 = arith.constant 0 : i32
    %sign3A_659 = arith.cmpi slt, %get3A_625, %sign3A_658 : i32
    %sign3A_660 = arith.extui %sign3A_659 : i1 to i32
    %sign3A_661 = arith.subi %sign3A_657, %sign3A_660 : i32
    %sign3A_662 = arith.constant 0 : i32
    %sign3A_663 = arith.cmpi sgt, %jit3A_653, %sign3A_662 : i32
    %sign3A_664 = arith.extui %sign3A_663 : i1 to i32
    %sign3A_665 = arith.constant 0 : i32
    %sign3A_666 = arith.cmpi slt, %jit3A_653, %sign3A_665 : i32
    %sign3A_667 = arith.extui %sign3A_666 : i1 to i32
    %sign3A_668 = arith.subi %sign3A_664, %sign3A_667 : i32
    %ne3A_669 = arith.cmpi ne, %sign3A_661, %sign3A_668 : i32
    %rem3A_670 = arith.remsi %get3A_625, %jit3A_653 : i32
    %ne3A_671 = arith.constant 0 : i32
    %ne3A_672 = arith.cmpi ne, %rem3A_670, %ne3A_671 : i32
    %and3A_673 = arith.andi %ne3A_669, %ne3A_672 : i1
    %sub3A_674 = arith.constant 1 : i32
    %sub3A_675 = arith.subi %div3A_654, %sub3A_674 : i32
    %select_n3A_676 = arith.select %and3A_673, %sub3A_675, %div3A_654 : i32
    %mul3A_677 = arith.constant 128 : i32
    %mul3A_678 = arith.muli %select_n3A_676, %mul3A_677 : i32
    %sub3A_679 = arith.subi %get3A_625, %mul3A_678 : i32
    %get3A_680 = arith.constant 0 : index
    %get3A_681 = arith.index_cast %mul3A_651 : i32 to index
    %get3A_682 = arith.index_cast %mul3A_678 : i32 to index
    %get3A_683 = vector.load %arg2[%get3A_680, %get3A_681, %get3A_682] : memref<1x1024x1024xf32, #tpu.memory_space<vmem>>, vector<1x136x256xf32>
    %get3A_684 = vector.shape_cast %get3A_683 : vector<1x136x256xf32> to vector<136x256xf32>
    %sub3A_685 = arith.constant 136 : i32
    %sub3A_686 = arith.subi %sub3A_685, %sub3A_652 : i32
    %roll3A_687 = tpu.dynamic_rotate %get3A_684 by %sub3A_686 dim 0 : vector<136x256xf32>, i32 -> vector<136x256xf32>
    %sub3A_688 = arith.constant 256 : i32
    %sub3A_689 = arith.subi %sub3A_688, %sub3A_679 : i32
    %roll3A_690 = tpu.dynamic_rotate %roll3A_687 by %sub3A_689 dim 1 : vector<136x256xf32>, i32 -> vector<136x256xf32>
    %get3A_691 = arith.constant 7 : index
    %get3A_692 = arith.constant 0 : index
    %get3A_693 = arith.constant 0 : index
    %get3A_694 = arith.constant 0 : index
    %get3A_695 = vector.load %arg3[%get3A_691, %get3A_692, %get3A_693, %get3A_694] : memref<8x1x128x128xf32, #tpu.memory_space<vmem>>, vector<1x1x128x128xf32>
    %get3A_696 = vector.shape_cast %get3A_695 : vector<1x1x128x128xf32> to vector<128x128xf32>
    %slice3A_697 = vector.extract_strided_slice %roll3A_690 {offsets = [0, 0], sizes = [128, 128], strides = [1, 1]} : vector<136x256xf32> to vector<128x128xf32>
    %mul3A_698 = arith.mulf %get3A_696, %slice3A_697 : vector<128x128xf32>
    %swap3A_699 = arith.constant 7 : index
    %swap3A_700 = arith.constant 0 : index
    %swap3A_701 = arith.constant 0 : index
    %swap3A_702 = arith.constant 0 : index
    %swap3A_703 = vector.load %arg4[%swap3A_699, %swap3A_700, %swap3A_701, %swap3A_702] : memref<8x1x128x128xf32, #tpu.memory_space<vmem>>, vector<1x1x128x128xf32>
    %swap3A_704 = vector.shape_cast %swap3A_703 : vector<1x1x128x128xf32> to vector<128x128xf32>
    %swap3A_705 = vector.shape_cast %mul3A_698 : vector<128x128xf32> to vector<1x1x128x128xf32>
    tpu.vector_store %arg4[%swap3A_699, %swap3A_700, %swap3A_701, %swap3A_702], %swap3A_705 {strides = array<i32>} : memref<8x1x128x128xf32, #tpu.memory_space<vmem>>, vector<1x1x128x128xf32>,
    return
  }
  func.func @transform_0(%arg0: i32, %arg1: memref<256x2xi32, #tpu.memory_space<smem>>) -> (i32, i32, i32) {
    %c0_i32 = arith.constant 0 : i32
    %c0_i32_0 = arith.constant 0 : i32
    %c0_i32_1 = arith.constant 0 : i32
    %c0_i32_2 = arith.constant 0 : i32
    return %c0_i32, %c0_i32_0, %c0_i32_1 : i32, i32, i32
  }
  func.func @transform_1(%arg0: i32, %arg1: memref<256x2xi32, #tpu.memory_space<smem>>) -> (i32, i32, i32, i32) {
    %c0_i32 = arith.constant 0 : i32
    %c0_i32_0 = arith.constant 0 : i32
    %c0_i32_1 = arith.constant 0 : i32
    %c0_i32_2 = arith.constant 0 : i32
    return %arg0, %c0_i32, %c0_i32_0, %c0_i32_1 : i32, i32, i32, i32
  }
  func.func @transform_2(%arg0: i32, %arg1: memref<256x2xi32, #tpu.memory_space<smem>>) -> (i32, i32, i32, i32) {
    %c0_i32 = arith.constant 0 : i32
    %c0_i32_0 = arith.constant 0 : i32
    %c0_i32_1 = arith.constant 0 : i32
    %c0_i32_2 = arith.constant 0 : i32
    return %arg0, %c0_i32, %c0_i32_0, %c0_i32_1 : i32, i32, i32, i32
  }
}

</mosaic_0001>

<sc_bundles>
// kernel: kernel.5.cloned.1.call-start
scs
__scs_entry_jumppad:
0x0: {  	(pc) =	sbr.rel $0x88, $3  }
0x1: {  	(tag) =	ssettag $0x0;
	lr =	simm.s32 $0x1  }
0x2: {  	[smem:$0x3F9E] =	sst lr;
	_ =	strace $0xD0000000  }
0x3: {  	_ = 	snop  }
0x4: {  	_ = 	snop  }
0x5: {  	_ = 	snop  }
0x6: {  	_ = 	snop  }
0x7: {  	_ = 	snop  }
__scs_overlays_trampoline_lowered:
0x8: {  	[smem:$0x3FAD] =	sst s0  }
0x9: {  	[smem:$0x3FAE] =	sst s1  }
0xa: {  	[smem:$0x3FAF] =	sst s2  }
0xb: {  	[smem:$0x3FB0] =	sst s3  }
0xc: {  	[smem:$0x3FB1] =	sst s4  }
0xd: {  	[smem:$0x3FB2] =	sst s5  }
0xe: {  	[smem:$0x3FB3] =	sst s6  }
0xf: {  	[smem:$0x3FB4] =	sst s7  }
0x10: {  	[smem:$0x3FB5] =	sst s8  }
0x11: {  	[smem:$0x3FB6] =	sst s9;
	s0 =	simm.s32 @!p0 $0x0  }
0x12: {  	s1 =	sld [smem:$0x3F9C];
	s0 =	simm.s32 @p0 $0x1  }
0x13: {  	[smem:$0x3FB7] =	sst s0;
	s0 =	simm.s32 @!p1 $0x0  }
0x14: {  	s2 =	sld [smem:$0x3F9B];
	s0 =	simm.s32 @p1 $0x1  }
0x15: {  	[smem:$0x3FB8] =	sst s0;
	s0 =	simm.s32 @!p2 $0x0  }
0x16: {  	s3 =	sld [smem:$0x3FDB];
	s0 =	simm.s32 @p2 $0x1  }
0x17: {  	s4 =	simm.s32 $0x1BF5;
	[smem:$0x3FBA] =	sst s0  }
0x18: {  	s0 =	sld [smem:$0x3F9D];
	_ =	swait.ge [sflag:s4], $0x0  }
0x19: {  	s7 =	sld [smem:$0x3F9E]  }
0x1a: {  	s8 =	sadd.s32 $0xFFFFE003, lr  }
0x1b: {  	s9 =	sadd.s32 $0xFFFFFEF7, lr;
	s5 =	simm.s32 $0xFFFFFFFF;
	p2 =	slt.u32 s8, $0xFFFFF086  }
0x1c: {  	p1 =	slt.u32 s9, $0xF7A;
	s5 =	simm.s32 @!p2 $0x0  }
0x1d: {  	s5 =	simm.s32 @p1 $0x1;
	p0 =	seq.s32 s7, s2  }
0x1e: {  	s7 =	smul.u32 @!p0 $0xF7A, s2;
	p2 =	seq.s32 @!p0 s5, $0x0  }
0x1f: {  	s9 =	smul.u32 $0xF7A, s1;
	s8 =	simm.s32 @!p0 $0x1BF5;
	p2 =	por !p2, p0  }
0x20: {  	[sflag:s8] =	ssyncset.s32 @!p0 $0xFFFFF086;
	s6 =	sadd.s32 @!p0 s3, s7;
	s7 =	simm.s32 @!p0 $0x108  }
0x21: {  	s3 =	sadd.s32 s3, s9;
	s6 =	sadd.s32 @!p0 $0x88, s6;
	s7 =	simm.s32 @p2 $0x1082  }
0x22: {  	[simem:s7], [sflag:s8] =	dma.local @!p0 [hbm:s6], $0xF7A  }
0x23: {  	s9 =	sor.u32 $0xD0000000, s2;
	s6 =	simm.s32 $0x108;
	_ =	swait.ge @!p0 [sflag:s8], $0x0  }
0x24: {  	s3 =	sadd.s32 $0x88, s3;
	s6 =	simm.s32 @!p1 $0x1082;
	[sflag:s4] =	ssyncset.s32 $0xFFFFF086  }
0x25: {  	[simem:s6], [sflag:s4] =	dma.local [hbm:s3], $0xF7A  }
0x26: {  	[smem:$0x3F9E] =	sst s1;
	(tag) =	ssettag s2;
	_ =	strace s9  }
0x27: {  	s1 =	sld [smem:$0x3FAE]  }
0x28: {  	s2 =	sld [smem:$0x3FAF]  }
0x29: {  	s4 =	sld [smem:$0x3FB1]  }
0x2a: {  	p0 =	seq.s32 s5, $0x0;
	s5 =	sld [smem:$0x3FB2]  }
0x2b: {  	s6 =	sld [smem:$0x3FB3]  }
0x2c: {  	s7 =	sld [smem:$0x3FB4]  }
0x2d: {  	s3 =	simm.s32 $0x108;
	s8 =	sld [smem:$0x3FB5]  }
0x2e: {  	s3 =	simm.s32 @!p0 $0x1082;
	s9 =	sld [smem:$0x3FB6]  }
0x2f: {  	lr =	sadd.s32 s0, s3;
	s0 =	sld [smem:$0x3FAD]  }
0x30: {  	s3 =	sld [smem:$0x3FB0]  }
0x31: {  	[smem:$0x3FB9] =	sst s10  }
0x32: {  	s10 =	sld [smem:$0x3FB7];
	_ =	sdelay $0x3  }
0x33: {  	p0 =	seq.s32 s10, $0x1;
	s10 =	sld [smem:$0x3FB9];
	_ =	sdelay $0x3  }
0x34: {  	[smem:$0x3FB9] =	sst s10  }
0x35: {  	s10 =	sld [smem:$0x3FB8];
	_ =	sdelay $0x3  }
0x36: {  	p1 =	seq.s32 s10, $0x1;
	s10 =	sld [smem:$0x3FB9];
	_ =	sdelay $0x3  }
0x37: {  	[smem:$0x3FB9] =	sst s10  }
0x38: {  	s10 =	sld [smem:$0x3FBA]  }
0x39: {  	_ = 	snop;
	(pc) =	sbr.ind lr, $3  }
0x3a: {  	_ = 	snop  }
0x3b: {  	_ = 	snop  }
0x3c: {  	p2 =	seq.s32 s10, $0x1;
	s10 =	sld [smem:$0x3FB9]  }
0x3d: {  	_ =	shalt  }
0x3e: {  	_ =	shalt  }
0x3f: {  	_ =	shalt  }
0x40: {  	_ =	shalt  }
0x41: {  	_ =	shalt  }
0x42: {  	_ =	shalt  }
0x43: {  	_ =	shalt  }
0x44: {  	_ =	shalt  }
0x45: {  	_ =	shalt  }
0x46: {  	_ =	shalt  }
0x47: {  	_ =	shalt  }
0x48: {  	_ =	shalt  }
0x49: {  	_ =	shalt  }
0x4a: {  	_ =	shalt  }
0x4b: {  	_ =	shalt  }
0x4c: {  	_ =	shalt  }
0x4d: {  	_ =	shalt  }
0x4e: {  	_ =	shalt  }
0x4f: {  	_ =	shalt  }
0x50: {  	_ =	shalt  }
0x51: {  	_ =	shalt  }
0x52: {  	_ =	shalt  }
0x53: {  	_ =	shalt  }
0x54: {  	_ =	shalt  }
0x55: {  	_ =	shalt  }
0x56: {  	_ =	shalt  }
0x57: {  	_ =	shalt  }
0x58: {  	_ =	shalt  }
0x59: {  	_ =	shalt  }
0x5a: {  	_ =	shalt  }
0x5b: {  	_ =	shalt  }
0x5c: {  	_ =	shalt  }
0x5d: {  	_ =	shalt  }
0x5e: {  	_ =	shalt  }
0x5f: {  	_ =	shalt  }
0x60: {  	_ =	shalt  }
0x61: {  	_ =	shalt  }
0x62: {  	_ =	shalt  }
0x63: {  	_ =	shalt  }
0x64: {  	_ =	shalt  }
0x65: {  	_ =	shalt  }
0x66: {  	_ =	shalt  }
0x67: {  	_ =	shalt  }
0x68: {  	_ =	shalt  }
0x69: {  	_ =	shalt  }
0x6a: {  	_ =	shalt  }
0x6b: {  	_ =	shalt  }
0x6c: {  	_ =	shalt  }
0x6d: {  	_ =	shalt  }
0x6e: {  	_ =	shalt  }
0x6f: {  	_ =	shalt  }
0x70: {  	_ =	shalt  }
0x71: {  	_ =	shalt  }
0x72: {  	_ =	shalt  }
0x73: {  	_ =	shalt  }
0x74: {  	_ =	shalt  }
0x75: {  	_ =	shalt  }
0x76: {  	_ =	shalt  }
0x77: {  	_ =	shalt  }
0x78: {  	_ =	shalt  }
0x79: {  	_ =	shalt  }
0x7a: {  	_ =	shalt  }
0x7b: {  	_ =	shalt  }
0x7c: {  	_ =	shalt  }
0x7d: {  	_ =	shalt  }
0x7e: {  	_ =	shalt  }
0x7f: {  	_ =	shalt  }
0x80: {  	_ =	shalt  }
0x81: {  	_ =	shalt  }
0x82: {  	_ =	shalt  }
0x83: {  	_ =	shalt  }
0x84: {  	_ =	shalt  }
0x85: {  	_ =	shalt  }
0x86: {  	_ =	shalt  }
0x87: {  	_ =	shalt  }
.Lfunc_end0:
.L_simem_size_0:
called_computation_lowered:
.L_overlay_start_0:
0x88: {  	s2 =	sld [smem:$0x3FD9]  }
0x89: {  	s3 =	sld [smem:$0x3FFE];
	_ =	sdelay $0x1  }
0x8a: {  	s1 =	srdreg.scid  }
0x8b: {  	s0 =	sand.u32 $0x1, s1  }
0x8c: {  	s14 =	sshll.u32 s0, $0xA;
	s2 =	sadd.s32 s3, s2  }
0x8d: {  	s2 =	sadd.s32 s2, s14  }
0x8e: {  	[smem:$0x3FC5] =	sst s2  }
0x8f: {  	_ = 	snop  }
0x90: {  	s2 =	sld [smem:$0x3FD0];
	_ =	sdelay $0x2  }
0x91: {  	s15 =	simm.s32 $0xA;
	s4 =	simm.s32 $0x10  }
0x92: {  	[smem:s4], [sflag:s15] =	dma.local [hbm:s2], $0x1  }
0x93: {  	_ =	swait.eq [sflag:s15], $0x1  }
0x94: {  	[sflag:s15] =	ssyncset.done $0x0  }
0x95: {  	[sflag:s15] =	ssyncadd.s32 $0xFFFFFFFF  }
0x96: {  	s16 =	sld [smem:$0x11];
	(tm) =	ssettm $0x1  }
0x97: {  	s17 =	sld [smem:$0x3FFB];
	_ =	sdelay $0x3  }
0x98: {  	_ =	strace s17  }
0x99: {  	s3 =	sld [smem:$0x3FFC];
	_ =	sdelay $0x3  }
0x9a: {  	_ =	strace s3  }
0x9b: {  	s3 =	sld [smem:$0x3FFD];
	_ =	sdelay $0x3  }
0x9c: {  	_ =	strace s3  }
0x9d: {  	_ =	strace $0x8FFFFFFF  }
0x9e: {  	s18 =	sld [smem:$0x3FDB];
	_ =	sdelay $0x1  }
0x9f: {  	s19 =	simm.s32 $_scs_section_size  }
0xa0: {  	s5 =	simm.s32 $_size__tile_overlayer_lowered;
	s6 =	simm.s32 $_tile_overlayer_lowered  }
0xa1: {  	s22 =	simm.s32 $0x1BFF;
	s21 =	sshll.u32 s6, $0x1;
	s3 =	sadd.s32 s19, s18  }
0xa2: {  	s7 =	simm.s32 $0x0;
	s20 =	sshll.u32 s5, $0x1;
	s5 =	sadd.s32 s21, s3  }
0xa3: {  	[timem:s7], [sflag:s22] =	dma.local [hbm:s5], s20  }
0xa4: {  	_ =	swait.ge [sflag:s22], s20  }
0xa5: {  	s4 =	ssub.s32 $0x0, s20;
	[sflag:s22] =	ssyncset.done $0x0  }
0xa6: {  	[sflag:s22] =	ssyncadd.s32 s4;
	_ =	sdelay $0x1  }
0xa7: {  	s23 =	simm.s32 $0x1B8B  }
0xa8: {  	_ =	swait.ge [sflag:s23], $0x1  }
0xa9: {  	[sflag:s23] =	ssyncset.done $0x0  }
0xaa: {  	s25 =	simm.s32 $0x1B8E;
	s24 =	sld [smem:$0x3FFE];
	[sflag:s23] =	ssyncadd.s32 $0xFFFFFFFF  }
0xab: {  	s26 =	simm.s32 $execute0_lowered;
	[smem:$0x3FD2] =	sst s25  }
0xac: {  	s5 =	sshll.u32 s26, $0x1;
	_ =	strace $0x80000046;
	[dreg:$0x1] =	wrdreg $0xFFFFFFFF  }
0xad: {  	s28 =	simm.s32 $_size_execute0_lowered;
	s3 =	sadd.s32 s3, s5;
	[dreg:$0x0] =	wrdreg $0x0  }
0xae: {  	s5 =	sshll.u32 s28, $0x1;
	[dreg:$0x2] =	wrdreg s3  }
0xaf: {  	[dreg:$0x3] =	wrdreg s5  }
0xb0: {  	[dreg:$0x4] =	wrdreg $0xC0  }
0xb1: {  	_ =	task [dreg:s7], $0x5FFFF  }
0xb2: {  	[dreg:$0x1] =	wrdreg $0xFFFFFFFF  }
0xb3: {  	[dreg:$0x0] =	wrdreg $0x60  }
0xb4: {  	[dreg:$0x2] =	wrdreg s24  }
0xb5: {  	[dreg:$0x3] =	wrdreg s16  }
0xb6: {  	[dreg:$0x4] =	wrdreg $0x9  }
0xb7: {  	_ =	task.clear_ibuf [dreg:s7], $0x5FFFF;
	_ =	strace $0x90000046  }
0xb8: {  	s29 =	simm.s32 $0x9;
	_ =	strace $0x80000048  }
0xb9: {  	_ =	swait.ge [sflag:s29], $0x1  }
0xba: {  	[sflag:s29] =	ssyncadd.s32 $0xFFFFFFFF  }
0xbb: {  	_ =	strace $0x90000048  }
0xbc: {  	_ =	sfence  }
0xbd: {  	s30 =	sld [smem:$0x0];
	_ =	sdelay $0x2  }
0xbe: {  	s31 =	sshll.u32 s1, $0xD;
	s1 =	sshrl.u32 s1, $0x2  }
0xbf: {  	s3 =	sand.u32 $0x4000, s31;
	s1 =	sadd.s32 s1, s30  }
0xc0: {  	s0 =	sor.u32 s3, s0;
	s1 =	sshll.u32 s1, $0x11  }
0xc1: {  	s0 =	sor.u32 s1, s0  }
0xc2: {  	s0 =	sadd.s32 $0x8F2B, s0  }
0xc3: {  	[sflag:s0] =	ssyncadd.remote.s32 $0x1  }
0xc4: {  	_ =	sfence.sel $0xFFFF  }
0xc5: {  	[dreg:$0x0] =	wrdreg $0xFFFFFFFF;
	(pc) =	sbr.abs _section_cstart, $3  }
0xc6: {  	[dreg:$0x1] =	wrdreg $0xFFFFFFFF  }
0xc7: {  	_ =	task.clear_ibuf [dreg:s7], $0x2FFFF;
	_ =	strace $0x9FFFFFFF  }
0xc8: {  	(tm) =	ssettm $0x7FFFFFFF  }
0xc9: {  	_ =	shalt  }
tec
execute0_lowered:
.L_overlay_start_1:
0x0: {  	(tag) =	ssettag $0x1  }
0x1: {  	s0 =	rddreg [dreg:$0x0]  }
0x2: {  	s1 =	rddreg [dreg:$0x1];
	s2 =	simm.s32 $0x0;
	s3 =	srdreg.scid  }
0x3: {  	s7 =	stileid.u32;
	[smem:$0x7FF] =	sst s2  }
0x4: {  	s3 =	sand.u32 $0x1, s3;
	s4 =	sadd.s32 $0x2000, s0;
	s5 =	sshll.u32 s7, $0x1  }
0x5: {  	s6 =	sadd.s32 $0x1000, s0;
	s0 =	sadd.s32 $0x2A00, s0;
	s21 =	sshll.u32 s7, $0x6  }
0x6: {  	s22 =	sshll.u32 s7, $0x10;
	_ =	strace $0x80000047;
	[dreg:$0x19] =	wrdreg s4  }
0x7: {  	s17 =	ssub.s32 $0x2, s3;
	[dreg:$0x1a] =	wrdreg s6;
	s5 =	sor.u32 s3, s5  }
0x8: {  	[dreg:$0x1b] =	wrdreg s0;
	s24 =	ssub.s32 $0x0, s22;
	s28 =	sshll.u32 s5, $0x5  }
0x9: {  	s20 =	sshll.u32 s5, $0x9;
	s5 =	sshll.u32 s5, $0xC;
	[dreg:$0x3] =	wrdreg s24  }
0xa: {  	s23 =	sshll.u32 s3, $0x5;
	s1 =	sadd.s32 s1, s5;
	[dreg:$0x1c] =	wrdreg s28  }
0xb: {  	s18 =	sshrl.u32 s17, $0x1;
	s31 =	sshrl.u32 s20, $0x2;
	[dreg:$0x1e] =	wrdreg s1  }
0xc: {  	s19 =	ssub.s32 s17, s18;
	s29 =	sadd.s32 $0x20, s28;
	[smem:$0x7FD] =	sst s31  }
0xd: {  	s25 =	sshll.u32 s3, $0xF;
	s0 =	smax.u32 s19, $0x1;
	[dreg:$0x1d] =	wrdreg s29  }
.Ltmp0:
0xe: {  	s1 =	sor.u32 s21, s23;
	[dreg:$0x1f] =	wrdreg s0;
	(pc) =	sbr.rel .LBB2_1-.Ltmp0, $4  }
0xf: {  	s0 =	ssub.s32 $0x0, s25;
	[smem:$0x7FB] =	sst s1  }
0x10: {  	s26 =	sadd.s32 $0x20, s1;
	[smem:$0x7F9] =	sst s0  }
0x11: {  	s30 =	ssub.s32 $0x0, s1;
	[smem:$0x7FA] =	sst s26  }
0x12: {  	v0 =	vimm.f32 $0.0e+00;
	v1 =	vlaneseq.u32;
	s3 =	simm.s32 $0x0;
	s1 =	simm.s32 $0x1;
	[smem:$0x7FC] =	sst s30  }
.LBB2_11:
0x13: {  	s0 =	rddreg [dreg:$0x1e];
	s1 =	simm.s32 $0xE000  }
0x14: {  	[hbm4b:s0+s2] =	stream.linear.scatter [tilespmem:s1], [sflag:$0x1], $0x8000, $0x38;
	[tilespmem:$0x16000] =	vst v63  }
0x15: {  	s1 =	simm.s32 $0x1  }
0x16: {  	_ =	swait.ge [sflag:s1], $0x8000  }
0x17: {  	s3 =	sld [smem:$0x7F8];
	_ =	sdelay $0x2  }
0x18: {  	s31 =	rddreg [dreg:$0x1f];
	s3 =	sadd.s32 $0x1, s3  }
0x19: {  	p0 =	sne.s32 s3, s31  }
.Ltmp1:
0x1a: {  	_ = 	snop;
	(pc) =	sbr.rel @!p0 .LBB2_12-.Ltmp1, $3  }
0x1b: {  	_ =	sdelay $0x1  }
0x1c: {  	[sflag:s1] =	ssyncset.done $0x0  }
0x1d: {  	[sflag:s1] =	ssyncadd.s32 $0xFFFF8000  }
.LBB2_1:
0x1e: {  	[smem:$0x7F8] =	sst s3  }
0x1f: {  	s0 =	rddreg [dreg:$0x19]  }
0x20: {  	[tilespmem:s2], [sflag:$0x1] =	stream.linear.gather [hbm4b:s0+s2], $0x5000, $0x38;
	[tilespmem:$0x16000] =	vst v63  }
0x21: {  	_ =	swait.ge [sflag:s1], $0x5000  }
0x22: {  	[sflag:s1] =	ssyncset.done $0x0  }
0x23: {  	s26 =	simm.s32 $0x5000;
	s25 =	rddreg [dreg:$0x1a];
	[sflag:s1] =	ssyncadd.s32 $0xFFFFB000  }
0x24: {  	[tilespmem:s26], [sflag:$0x1] =	stream.linear.gather [hbm4b:s25+s2], $0x8000, $0x38;
	[tilespmem:$0x16000] =	vst v63  }
0x25: {  	_ =	swait.ge [sflag:s1], $0x8000  }
0x26: {  	[sflag:s1] =	ssyncset.done $0x0  }
0x27: {  	s31 =	simm.s32 $0xD000;
	s30 =	rddreg [dreg:$0x1b];
	[sflag:s1] =	ssyncadd.s32 $0xFFFF8000  }
0x28: {  	[tilespmem:s31], [sflag:$0x1] =	stream.linear.gather [hbm4b:s30+s2], $0x1000, $0x38;
	[tilespmem:$0x16000] =	vst v63  }
0x29: {  	_ =	swait.ge [sflag:s1], $0x1000  }
0x2a: {  	s3 =	simm.s32 $0x0;
	s4 =	simm.s32 $0x0;
	[sflag:s1] =	ssyncset.done $0x0  }
0x2b: {  	s0 =	simm.s32 $0xFFFF8000;
	[sflag:s1] =	ssyncadd.s32 $0xFFFFF000;
	s1 =	simm.s32 $0x0  }
.LBB2_2:
0x2c: {  	s5 =	sadd.s32 $0x8000, s0  }
0x2d: {  	s6 =	sand.u32 $0x380, s4;
	s5 =	sand.u32 $0x6000, s5  }
0x2e: {  	s5 =	sor.u32 s6, s5  }
0x2f: {  	[tilespmem:s5+$0xE000] =	vst v0  }
0x30: {  	[tilespmem:s5+$0xE010] =	vst v0  }
0x31: {  	[tilespmem:s5+$0xE020] =	vst v0  }
0x32: {  	[tilespmem:s5+$0xE030] =	vst v0  }
0x33: {  	[tilespmem:s5+$0xE040] =	vst v0  }
0x34: {  	[tilespmem:s5+$0xE050] =	vst v0  }
0x35: {  	[tilespmem:s5+$0xE060] =	vst v0  }
0x36: {  	[tilespmem:s5+$0xE070] =	vst v0  }
0x37: {  	[tilespmem:s5+$0xE400] =	vst v0  }
0x38: {  	[tilespmem:s5+$0xE410] =	vst v0  }
0x39: {  	[tilespmem:s5+$0xE420] =	vst v0  }
0x3a: {  	[tilespmem:s5+$0xE430] =	vst v0  }
0x3b: {  	[tilespmem:s5+$0xE440] =	vst v0  }
0x3c: {  	[tilespmem:s5+$0xE450] =	vst v0  }
0x3d: {  	[tilespmem:s5+$0xE460] =	vst v0  }
0x3e: {  	[tilespmem:s5+$0xE470] =	vst v0  }
0x3f: {  	[tilespmem:s5+$0xE800] =	vst v0  }
0x40: {  	[tilespmem:s5+$0xE810] =	vst v0  }
0x41: {  	[tilespmem:s5+$0xE820] =	vst v0  }
0x42: {  	[tilespmem:s5+$0xE830] =	vst v0  }
0x43: {  	[tilespmem:s5+$0xE840] =	vst v0  }
0x44: {  	[tilespmem:s5+$0xE850] =	vst v0  }
0x45: {  	[tilespmem:s5+$0xE860] =	vst v0  }
0x46: {  	[tilespmem:s5+$0xE870] =	vst v0  }
0x47: {  	[tilespmem:s5+$0xEC00] =	vst v0  }
0x48: {  	[tilespmem:s5+$0xEC10] =	vst v0  }
0x49: {  	[tilespmem:s5+$0xEC20] =	vst v0  }
0x4a: {  	[tilespmem:s5+$0xEC30] =	vst v0  }
0x4b: {  	[tilespmem:s5+$0xEC40] =	vst v0  }
0x4c: {  	[tilespmem:s5+$0xEC50] =	vst v0  }
0x4d: {  	[tilespmem:s5+$0xEC60] =	vst v0  }
0x4e: {  	[tilespmem:s5+$0xEC70] =	vst v0  }
0x4f: {  	[tilespmem:s5+$0xF000] =	vst v0  }
0x50: {  	[tilespmem:s5+$0xF010] =	vst v0  }
0x51: {  	[tilespmem:s5+$0xF020] =	vst v0  }
0x52: {  	[tilespmem:s5+$0xF030] =	vst v0  }
0x53: {  	[tilespmem:s5+$0xF040] =	vst v0  }
0x54: {  	[tilespmem:s5+$0xF050] =	vst v0  }
0x55: {  	[tilespmem:s5+$0xF060] =	vst v0  }
0x56: {  	[tilespmem:s5+$0xF070] =	vst v0  }
0x57: {  	[tilespmem:s5+$0xF400] =	vst v0  }
0x58: {  	[tilespmem:s5+$0xF410] =	vst v0  }
0x59: {  	[tilespmem:s5+$0xF420] =	vst v0  }
0x5a: {  	[tilespmem:s5+$0xF430] =	vst v0  }
0x5b: {  	[tilespmem:s5+$0xF440] =	vst v0  }
0x5c: {  	[tilespmem:s5+$0xF450] =	vst v0  }
0x5d: {  	[tilespmem:s5+$0xF460] =	vst v0  }
0x5e: {  	[tilespmem:s5+$0xF470] =	vst v0  }
0x5f: {  	[tilespmem:s5+$0xF800] =	vst v0  }
0x60: {  	[tilespmem:s5+$0xF810] =	vst v0  }
0x61: {  	[tilespmem:s5+$0xF820] =	vst v0  }
0x62: {  	[tilespmem:s5+$0xF830] =	vst v0  }
0x63: {  	s20 =	sand.u32 $0x7, s1;
	[tilespmem:s5+$0xF840] =	vst v0  }
0x64: {  	s6 =	sshll.u32 s20, $0x7;
	[tilespmem:s5+$0xF850] =	vst v0  }
0x65: {  	s6 =	sadd.s32 s6, s3;
	[tilespmem:s5+$0xF860] =	vst v0  }
0x66: {  	[tilespmem:s5+$0xF870] =	vst v0;
	s21 =	sor.u32 $0x1C00, s6  }
0x67: {  	s22 =	sor.u32 $0x1C10, s6;
	[tilespmem:s21+$0xE000] =	vst v0  }
0x68: {  	s23 =	sor.u32 $0x1C20, s6;
	[tilespmem:s22+$0xE000] =	vst v0  }
0x69: {  	p0 =	sne.s32 s4, $0xF80;
	s24 =	sor.u32 $0x1C30, s6;
	[tilespmem:s23+$0xE000] =	vst v0  }
.Ltmp2:
0x6a: {  	s25 =	sor.u32 $0x1C40, s6;
	[tilespmem:s24+$0xE000] =	vst v0;
	(pc) =	sbr.rel @p0 .LBB2_2-.Ltmp2, $4  }
0x6b: {  	s26 =	sor.u32 $0x1C50, s6;
	[tilespmem:s25+$0xE000] =	vst v0  }
0x6c: {  	s30 =	sor.u32 $0x1C60, s6;
	[tilespmem:s26+$0xE000] =	vst v0  }
0x6d: {  	s1 =	sadd.s32 $0x1, s1;
	s31 =	sor.u32 $0x1C70, s6;
	[tilespmem:s30+$0xE000] =	vst v0  }
0x6e: {  	s0 =	sadd.s32 $0x400, s0;
	s4 =	sadd.s32 $0x80, s4;
	s3 =	sadd.s32 $0x400, s3;
	[tilespmem:s31+$0xE000] =	vst v0  }
0x6f: {  	s0 =	sld [smem:$0x7FD];
	_ =	sdelay $0x2  }
0x70: {  	v2 =	vld [tilespmem:s0+$0xD000];
	_ =	sdelay $0x4  }
0x71: {  	(v2sf) =	vpush v2, $0x0  }
0x72: {  	(v2sf) =	vpush v2, $0x1;
	_ =	sdelay $0xd  }
0x73: {  	s31 =	spop (v2sf)  }
0x74: {  	s23 =	spop (v2sf)  }
0x75: {  	p0 =	sge.s32 s31, s23  }
.Ltmp3:
0x76: {  	_ = 	snop;
	(pc) =	sbr.rel @p0 .LBB2_11-.Ltmp3, $4  }
.Ltmp4:
0x77: {  	_ = 	snop;
	(pc) =	sbr.rel @!p0 .LBB2_4-.Ltmp4, $4  }
0x78: {  	_ = 	snop  }
0x79: {  	_ = 	snop  }
0x7a: {  	[smem:$0x7F7] =	sst s23  }
0x7b: {  	_ = 	snop  }
.LBB2_10:
0x7c: {  	s31 =	sadd.s32 $0x1, s31  }
0x7d: {  	p0 =	sne.s32 s31, s23  }
.Ltmp5:
0x7e: {  	_ = 	snop;
	(pc) =	sbr.rel @!p0 .LBB2_11-.Ltmp5, $1  }
0x7f: {  	_ =	sdelay $0x3  }
.LBB2_4:
0x80: {  	s0 =	sshll.u32 s31, $0x9  }
0x81: {  	s0 =	sshra.s32 s0, $0x2  }
0x82: {  	v2 =	vld [tilespmem:s0+$0x5000];
	_ =	sdelay $0x4  }
0x83: {  	(v2sf) =	vpush v2, $0x0  }
0x84: {  	(v2sf) =	vpush v2, $0x1;
	_ =	sdelay $0xd  }
0x85: {  	s17 =	spop (v2sf)  }
0x86: {  	s10 =	smov.u32 s29;
	s1 =	spop (v2sf)  }
0x87: {  	s19 =	sadd.s32 $0x80, s17;
	s20 =	sand.u32 $0xF, s1;
	s3 =	sshra.s32 s1, $0x1F  }
0x88: {  	p0 =	slt.s32 s1, $0x1;
	p1 =	sne.s32 s20, $0x0;
	s21 =	sshrl.u32 s3, $0x1C  }
0x89: {  	s3 =	simm.s32 $0x1;
	p0 =	por !p0, !p1;
	s0 =	sadd.s32 s21, s1  }
0x8a: {  	p1 =	slt.s32 s19, s29;
	p0 =	por !p0, !p0;
	s4 =	sshra.s32 s0, $0x4  }
0x8b: {  	s0 =	smov.u32 s28;
	s3 =	simm.s32 @!p0 $0x0;
	p0 =	sgt.s32 s17, s28  }
0x8c: {  	s10 =	smov.u32 @p1 s19;
	s0 =	smov.u32 @p0 s17  }
0x8d: {  	s12 =	ssub.s32 s10, s0  }
0x8e: {  	s5 =	sshrl.u32 s12, $0x1F  }
0x8f: {  	s5 =	sadd.s32 s5, s12  }
0x90: {  	s3 =	ssub.s32 s4, s3;
	s15 =	sand.u32 $0xFFFFFFFE, s5  }
0x91: {  	s14 =	sshll.u32 s3, $0x4;
	s26 =	sadd.s32 s0, s15  }
0x92: {  	s3 =	sshll.u32 s3, $0x7;
	s22 =	sadd.s32 $0x10, s14;
	p0 =	sge.s32 s0, s26  }
.Ltmp6:
0x93: {  	s11 =	sand.u32 $0x70, s14;
	s1 =	ssub.s32 s22, s1;
	(pc) =	sbr.rel @p0 .LBB2_7-.Ltmp6, $4  }
0x94: {  	s24 =	sand.u32 $0x70, s22;
	s6 =	sadd.s32 $0x10, s1;
	s7 =	sadd.s32 $0x20, s1  }
0x95: {  	s8 =	sadd.s32 $0x30, s1;
	s9 =	sadd.s32 $0x40, s1;
	s25 =	sadd.s32 $0x50, s1;
	v3 =	vadd.s32 s1, v1;
	v2 =	vadd.s32 s6, v1;
	v4 =	vadd.s32 s7, v1  }
0x96: {  	s13 =	sadd.s32 $0x60, s1;
	s30 =	sadd.s32 $0x70, s1;
	s1 =	sadd.s32 $0x80, s1;
	v5 =	vadd.s32 s8, v1;
	v6 =	vadd.s32 s9, v1;
	v7 =	vadd.s32 s25, v1  }
0x97: {  	v8 =	vadd.s32 s13, v1;
	v9 =	vadd.s32 s30, v1;
	v10 =	vadd.s32 s1, v1;
	s25 =	sand.u32 $0xFFFFFC00, s3;
	s9 =	sshll.u32 s22, $0x3;
	s8 =	sadd.s32 $0x20, s14  }
0x98: {  	[dreg:$0xc] =	wrdreg s11  }
0x99: {  	[smem:$0x7F4] =	sst s15  }
0x9a: {  	[smem:$0x7F6] =	sst s10  }
0x9b: {  	s1 =	sand.u32 $0xFFFFFC00, s9;
	s10 =	sshll.u32 s8, $0x3;
	s3 =	sadd.s32 $0x30, s14  }
0x9c: {  	[dreg:$0x4] =	wrdreg s1;
	s1 =	sand.u32 $0xFFFFFC00, s10;
	s11 =	sshll.u32 s3, $0x3  }
0x9d: {  	s13 =	sadd.s32 $0x50, s14;
	[dreg:$0x6] =	wrdreg s1;
	s1 =	sand.u32 $0xFFFFFC00, s11  }
0x9e: {  	[dreg:$0x8] =	wrdreg s1;
	s1 =	sshll.u32 s13, $0x3  }
0x9f: {  	s30 =	sand.u32 $0xFFFFFC00, s1;
	s1 =	sld [smem:$0x7FB]  }
0xa0: {  	[smem:$0x7F5] =	sst s12;
	s7 =	sand.u32 $0x70, s8  }
0xa1: {  	s4 =	sadd.s32 $0x40, s14;
	s18 =	sadd.s32 $0x60, s14;
	s21 =	sadd.s32 $0x70, s14  }
0xa2: {  	s6 =	sld [smem:$0x7F9];
	s2 =	sand.u32 $0x70, s4;
	p0 =	sgt.s32 s17, s1  }
0xa3: {  	[dreg:$0xb] =	wrdreg s2;
	s2 =	smul.u32 $0xA0, s17;
	s1 =	smov.u32 @p0 s17  }
0xa4: {  	[dreg:$0x5] =	wrdreg s7;
	s3 =	sand.u32 $0x70, s3;
	s5 =	smul.u32 $0xA0, s1  }
0xa5: {  	s15 =	sand.u32 $0x70, s13;
	s7 =	sshll.u32 s1, $0x7;
	s1 =	sshll.u32 s1, $0xA  }
0xa6: {  	[dreg:$0x7] =	wrdreg s3;
	s1 =	sadd.s32 s1, s6;
	s6 =	ssub.s32 s5, s2  }
0xa7: {  	s20 =	sand.u32 $0x70, s18;
	[dreg:$0xf] =	wrdreg s15;
	s28 =	sadd.s32 $0xA0, s6;
	v12 =	vadd.s32 s6, v3  }
0xa8: {  	s12 =	sshll.u32 s4, $0x3;
	s23 =	sand.u32 $0x70, s21;
	[dreg:$0xd] =	wrdreg s20;
	v11 =	vadd.s32 s28, v3  }
0xa9: {  	s16 =	sand.u32 $0xFFFFFC00, s12;
	s3 =	sshll.u32 s18, $0x3;
	[dreg:$0xe] =	wrdreg s23  }
0xaa: {  	s11 =	rddreg [dreg:$0x3];
	s10 =	sand.u32 $0xFFFFFC00, s3;
	s3 =	sadd.s32 $0x80, s7  }
0xab: {  	s7 =	simm.s32 $0x0;
	[smem:$0x7F2] =	sst s1;
	s4 =	sadd.s32 s1, s11  }
0xac: {  	s15 =	sadd.s32 $0xFFFFFF80, s3;
	s12 =	sadd.s32 $0x400, s4;
	s4 =	sand.u32 $0xFFFFE000, s4;
	v12 =	vld.idx.msk [tilespmem:v12+s7+$0x0], $0xffff  }
0xad: {  	s2 =	rddreg [dreg:$0xc];
	s5 =	sand.u32 $0xFFFFE000, s12;
	s4 =	sadd.s32 $0xE000, s4;
	v11 =	vld.idx.msk [tilespmem:v11+s7+$0x0], $0xffff  }
0xae: {  	s20 =	sand.u32 $0x380, s15;
	v13 =	vadd.s32 s28, v2;
	s11 =	sadd.s32 $0xE000, s5;
	s18 =	sadd.s32 s25, s4  }
0xaf: {  	s12 =	sand.u32 $0x380, s3;
	s5 =	sadd.s32 s25, s11;
	s15 =	sadd.s32 s20, s18  }
0xb0: {  	s22 =	sshll.u32 s21, $0x3;
	v14 =	vadd.s32 s6, v2;
	s5 =	sadd.s32 s12, s5;
	s21 =	sadd.s32 s2, s15  }
0xb1: {  	s5 =	sadd.s32 s2, s5;
	[tilespmem:s21+$0x0] =	vst.add.f32.msk $0xffff, v12  }
0xb2: {  	[tilespmem:s5+$0x0] =	vst.add.f32.msk $0xffff, v11  }
0xb3: {  	v11 =	vld.idx.msk [tilespmem:v13+s7+$0x0], $0xffff  }
0xb4: {  	v13 =	vadd.s32 s28, v4;
	s23 =	rddreg [dreg:$0x4]  }
0xb5: {  	s22 =	sand.u32 $0xFFFFFC00, s22;
	v12 =	vld.idx.msk [tilespmem:v14+s7+$0x0], $0xffff;
	s1 =	sadd.s32 s23, s11  }
0xb6: {  	s13 =	sadd.s32 $0x400, s25;
	v14 =	vadd.s32 s6, v4;
	s15 =	sadd.s32 s23, s4;
	s5 =	sadd.s32 s12, s1  }
0xb7: {  	s23 =	rddreg [dreg:$0x6];
	s1 =	sadd.s32 $0x2, s0;
	s5 =	sadd.s32 s24, s5  }
0xb8: {  	s18 =	sadd.s32 s20, s15;
	s21 =	sadd.s32 s23, s4;
	s23 =	sadd.s32 s23, s11;
	[tilespmem:s5+$0x0] =	vst.add.f32.msk $0xffff, v11  }
0xb9: {  	s0 =	sadd.s32 s24, s18;
	p1 =	slt.s32 s1, s26;
	v11 =	vld.idx.msk [tilespmem:v13+s7+$0x0], $0xffff;
	[dreg:$0x9] =	wrdreg s16  }
0xba: {  	s5 =	sadd.s32 s20, s21;
	s21 =	rddreg [dreg:$0x8];
	s16 =	sadd.s32 s16, s4;
	[tilespmem:s0+$0x0] =	vst.add.f32.msk $0xffff, v12  }
0xbb: {  	s18 =	sadd.s32 s21, s4;
	s0 =	sadd.s32 s10, s4;
	v12 =	vld.idx.msk [tilespmem:v14+s7+$0x0], $0xffff;
	[dreg:$0xa] =	wrdreg s24  }
0xbc: {  	s15 =	sadd.s32 s20, s18;
	s18 =	sadd.s32 s30, s4;
	[smem:$0x7F3] =	sst s1  }
0xbd: {  	s29 =	sadd.s32 s20, s0;
	s0 =	sadd.s32 s22, s4;
	s1 =	rddreg [dreg:$0x5]  }
0xbe: {  	s24 =	sadd.s32 s20, s0;
	s0 =	sadd.s32 s13, s4;
	s4 =	sadd.s32 s12, s23  }
0xbf: {  	s4 =	sadd.s32 s1, s4  }
0xc0: {  	[tilespmem:s4+$0x0] =	vst.add.f32.msk $0xffff, v11  }
0xc1: {  	s4 =	sadd.s32 s1, s5;
	s5 =	rddreg [dreg:$0x7]  }
0xc2: {  	[dreg:$0x11] =	wrdreg s13  }
0xc3: {  	[dreg:$0x12] =	wrdreg s22  }
0xc4: {  	[dreg:$0x15] =	wrdreg s30  }
0xc5: {  	[dreg:$0x16] =	wrdreg s10  }
0xc6: {  	[dreg:$0x10] =	wrdreg s25  }
0xc7: {  	s1 =	rddreg [dreg:$0xb]  }
0xc8: {  	p0 =	por $0x0, $0x0;
	s13 =	rddreg [dreg:$0xf]  }
0xc9: {  	v15 =	vadd.s32 s28, v5;
	s16 =	sadd.s32 s20, s16;
	s18 =	sadd.s32 s20, s18;
	[dreg:$0x14] =	wrdreg s26  }
0xca: {  	v18 =	vadd.s32 s6, v5;
	s23 =	sadd.s32 s20, s0;
	s20 =	sadd.s32 s13, s18;
	s18 =	rddreg [dreg:$0xd];
	[tilespmem:s4+$0x0] =	vst.add.f32.msk $0xffff, v12  }
.Ltmp7:
0xcb: {  	s22 =	sadd.s32 s21, s11;
	s30 =	rddreg [dreg:$0xe];
	(pc) =	sbr.rel @!p1 .LBB2_6-.Ltmp7, $4  }
0xcc: {  	s0 =	sadd.s32 s5, s15;
	s25 =	sadd.s32 s1, s16;
	s24 =	sadd.s32 s30, s24  }
0xcd: {  	s16 =	sadd.s32 s2, s23;
	s4 =	sadd.s32 s12, s22;
	[dreg:$0x13] =	wrdreg s24  }
0xce: {  	v16 =	vadd.s32 s6, v6;
	v17 =	vadd.s32 s6, v9;
	v22 =	vadd.s32 s28, v6;
	s23 =	sadd.s32 $0x140, s6;
	s21 =	smov.u32 s1;
	s26 =	sadd.s32 s18, s29;
	v20 =	vld.idx.msk [tilespmem:v15+s7+$0x0], $0xffff  }
0xcf: {  	v13 =	vadd.s32 s6, v8;
	v14 =	vadd.s32 s6, v7;
	v11 =	vadd.s32 s6, v10;
	s4 =	sadd.s32 s5, s4;
	s6 =	smov.u32 s18;
	s29 =	smov.u32 s13;
	v21 =	vld.idx.msk [tilespmem:v18+s7+$0x0], $0xffff  }
0xd0: {  	[smem:$0x7EC] =	sst s9  }
0xd1: {  	[smem:$0x7ED] =	sst s8  }
0xd2: {  	[smem:$0x7EE] =	sst s14  }
0xd3: {  	[smem:$0x7EF] =	sst s19  }
0xd4: {  	[smem:$0x7F0] =	sst s17  }
0xd5: {  	[smem:$0x7F1] =	sst s31  }
0xd6: {  	[dreg:$0x17] =	wrdreg s16  }
0xd7: {  	[tilespmem:s4+$0x0] =	vst.add.f32.msk $0xffff, v20  }
0xd8: {  	s15 =	sadd.s32 $0xA0, s23;
	[tilespmem:s0+$0x0] =	vst.add.f32.msk $0xffff, v21  }
0xd9: {  	v15 =	vadd.s32 s15, v3;
	s0 =	sld [smem:$0x7F2]  }
0xda: {  	v18 =	vld.idx.msk [tilespmem:v22+s7+$0x0], $0xffff  }
0xdb: {  	s24 =	smov.u32 s30;
	v16 =	vld.idx.msk [tilespmem:v16+s7+$0x0], $0xffff;
	s8 =	rddreg [dreg:$0x9]  }
0xdc: {  	s9 =	rddreg [dreg:$0x3];
	v19 =	vadd.s32 s28, v7;
	s10 =	sadd.s32 s8, s11;
	s1 =	sadd.s32 $0x800, s0  }
0xdd: {  	v12 =	vadd.s32 s23, v3;
	s19 =	smov.u32 s29;
	s0 =	sadd.s32 s12, s10;
	s4 =	sadd.s32 s1, s9  }
0xde: {  	s14 =	smov.u32 s21;
	v15 =	vld.idx.msk [tilespmem:v15+s7+$0x0], $0xffff;
	s0 =	sadd.s32 s21, s0;
	s5 =	sadd.s32 $0x400, s4  }
0xdf: {  	s29 =	sadd.s32 $0x100, s3;
	s22 =	smov.u32 s11;
	[tilespmem:s0+$0x0] =	vst.add.f32.msk $0xffff, v18;
	s5 =	sand.u32 $0xFFFFE000, s5  }
0xe0: {  	s30 =	sand.u32 $0x380, s29;
	v18 =	vadd.s32 s15, v2;
	s13 =	rddreg [dreg:$0x10];
	[tilespmem:s25+$0x0] =	vst.add.f32.msk $0xffff, v16;
	s31 =	sadd.s32 $0xE000, s5  }
0xe1: {  	s18 =	sand.u32 $0xFFFFE000, s4;
	v19 =	vld.idx.msk [tilespmem:v19+s7+$0x0], $0xffff;
	s2 =	rddreg [dreg:$0xc];
	s16 =	sadd.s32 s13, s31  }
0xe2: {  	v12 =	vld.idx.msk [tilespmem:v12+s7+$0x0], $0xffff;
	s3 =	sadd.s32 $0xE000, s18;
	s11 =	rddreg [dreg:$0x15];
	s0 =	sadd.s32 s30, s16  }
0xe3: {  	v16 =	vadd.s32 s28, v8;
	s25 =	sadd.s32 $0xFFFFFF80, s29;
	v14 =	vld.idx.msk [tilespmem:v14+s7+$0x0], $0xffff;
	s21 =	sadd.s32 s11, s22;
	s0 =	sadd.s32 s2, s0  }
0xe4: {  	s9 =	sadd.s32 s13, s3;
	s5 =	sand.u32 $0x380, s25;
	s4 =	sadd.s32 s12, s21;
	[tilespmem:s0+$0x0] =	vst.add.f32.msk $0xffff, v15  }
0xe5: {  	v20 =	vadd.s32 s23, v2;
	s0 =	sadd.s32 s19, s4;
	s4 =	sadd.s32 s5, s9;
	v15 =	vld.idx.msk [tilespmem:v18+s7+$0x0], $0xffff  }
0xe6: {  	[tilespmem:s0+$0x0] =	vst.add.f32.msk $0xffff, v19;
	s10 =	sadd.s32 s2, s4  }
0xe7: {  	[tilespmem:s10+$0x0] =	vst.add.f32.msk $0xffff, v12  }
0xe8: {  	v16 =	vld.idx.msk [tilespmem:v16+s7+$0x0], $0xffff;
	s13 =	rddreg [dreg:$0x4]  }
0xe9: {  	v12 =	vadd.s32 s28, v9;
	s21 =	rddreg [dreg:$0x16];
	s16 =	sadd.s32 s13, s31  }
0xea: {  	v19 =	vld.idx.msk [tilespmem:v20+s7+$0x0], $0xffff;
	s25 =	rddreg [dreg:$0xa];
	s18 =	sadd.s32 s21, s22;
	s0 =	sadd.s32 s30, s16  }
0xeb: {  	s17 =	smov.u32 s6;
	v18 =	vadd.s32 s15, v4;
	[tilespmem:s20+$0x0] =	vst.add.f32.msk $0xffff, v14;
	s4 =	sadd.s32 s12, s18;
	s0 =	sadd.s32 s25, s0  }
0xec: {  	v14 =	vadd.s32 s23, v4;
	s10 =	sadd.s32 s13, s3;
	s4 =	sadd.s32 s17, s4;
	[tilespmem:s0+$0x0] =	vst.add.f32.msk $0xffff, v15  }
0xed: {  	s13 =	sadd.s32 s5, s10;
	[tilespmem:s4+$0x0] =	vst.add.f32.msk $0xffff, v16  }
0xee: {  	s0 =	sadd.s32 s25, s13;
	v12 =	vld.idx.msk [tilespmem:v12+s7+$0x0], $0xffff;
	s9 =	rddreg [dreg:$0x6]  }
0xef: {  	s18 =	sld [smem:$0x7F3];
	[tilespmem:s0+$0x0] =	vst.add.f32.msk $0xffff, v19;
	s16 =	sadd.s32 s9, s3  }
0xf0: {  	p0 =	por $0x1, $0x1;
	v15 =	vld.idx.msk [tilespmem:v18+s7+$0x0], $0xffff;
	s4 =	sadd.s32 s5, s16;
	s16 =	rddreg [dreg:$0x12]  }
0xf1: {  	s21 =	sadd.s32 s21, s3;
	s10 =	rddreg [dreg:$0x8];
	v14 =	vld.idx.msk [tilespmem:v14+s7+$0x0], $0xffff;
	s20 =	sadd.s32 s16, s22  }
0xf2: {  	v13 =	vld.idx.msk [tilespmem:v13+s7+$0x0], $0xffff;
	v16 =	vadd.s32 s28, v10;
	s28 =	sadd.s32 $0x2, s18;
	s18 =	sadd.s32 s9, s31;
	s0 =	sadd.s32 s12, s20  }
0xf3: {  	s25 =	rddreg [dreg:$0x5];
	s18 =	sadd.s32 s30, s18;
	s0 =	sadd.s32 s24, s0  }
0xf4: {  	s21 =	sadd.s32 s5, s21;
	s6 =	sadd.s32 s10, s3;
	s18 =	sadd.s32 s25, s18;
	[tilespmem:s0+$0x0] =	vst.add.f32.msk $0xffff, v12  }
0xf5: {  	s13 =	sadd.s32 s8, s3;
	s4 =	sadd.s32 s25, s4;
	s6 =	sadd.s32 s5, s6;
	[tilespmem:s18+$0x0] =	vst.add.f32.msk $0xffff, v15  }
0xf6: {  	v18 =	vadd.s32 s15, v5;
	s9 =	sadd.s32 s5, s13;
	s20 =	smov.u32 s24;
	s24 =	sadd.s32 s11, s3;
	[tilespmem:s4+$0x0] =	vst.add.f32.msk $0xffff, v14  }
0xf7: {  	v19 =	vadd.s32 s23, v5;
	s25 =	sadd.s32 s16, s3;
	s24 =	sadd.s32 s5, s24;
	s0 =	rddreg [dreg:$0x11];
	[tilespmem:s26+$0x0] =	vst.add.f32.msk $0xffff, v13  }
0xf8: {  	s4 =	sadd.s32 s5, s25;
	s25 =	sadd.s32 s14, s9;
	v12 =	vld.idx.msk [tilespmem:v16+s7+$0x0], $0xffff;
	s16 =	rddreg [dreg:$0x14]  }
0xf9: {  	s26 =	sadd.s32 s17, s21;
	s13 =	sadd.s32 s0, s22;
	p1 =	slt.s32 s28, s16  }
.Ltmp8:
0xfa: {  	s18 =	rddreg [dreg:$0x7];
	s22 =	sadd.s32 s19, s24;
	(pc) =	sbr.rel @!p1 .LBB2_14-.Ltmp8, $4  }
0xfb: {  	v20 =	vld.idx.msk [tilespmem:v18+s7+$0x0], $0xffff;
	s11 =	sadd.s32 s0, s3;
	s3 =	sadd.s32 s12, s13;
	[dreg:$0x18] =	wrdreg s22  }
0xfc: {  	s24 =	sadd.s32 s10, s31;
	s5 =	sadd.s32 s5, s11;
	s3 =	sadd.s32 s2, s3;
	v21 =	vld.idx.msk [tilespmem:v19+s7+$0x0], $0xffff  }
0xfd: {  	v22 =	vadd.s32 s15, v6;
	v14 =	vadd.s32 s23, v7;
	v15 =	vadd.s32 s23, v10;
	s0 =	sadd.s32 s18, s6;
	s6 =	sadd.s32 s20, s4;
	[tilespmem:s3+$0x0] =	vst.add.f32.msk $0xffff, v12;
	s3 =	sadd.s32 s30, s24  }
0xfe: {  	v16 =	vadd.s32 s23, v6;
	v13 =	vadd.s32 s23, v8;
	s16 =	sadd.s32 s2, s5;
	v19 =	vld.idx.msk [tilespmem:v17+s7+$0x0], $0xffff;
	v12 =	vadd.s32 s23, v9;
	s23 =	sadd.s32 $0x140, s23;
	s4 =	sadd.s32 s18, s3  }
.LBB2_15:
0xff: {  	s3 =	rddreg [dreg:$0x3]  }
0x100: {  	s17 =	rddreg [dreg:$0x14]  }
0x101: {  	s13 =	rddreg [dreg:$0x9]  }
0x102: {  	v23 =	vadd.s32 s23, v3;
	s24 =	sadd.s32 $0xA0, s23;
	s2 =	rddreg [dreg:$0x13];
	[tilespmem:s0+$0x0] =	vst.add.f32.msk $0xffff, v21  }
0x103: {  	s28 =	sadd.s32 $0x2, s28;
	s11 =	rddreg [dreg:$0xb];
	v26 =	vadd.s32 s24, v3;
	[tilespmem:s4+$0x0] =	vst.add.f32.msk $0xffff, v20  }
0x104: {  	s1 =	sadd.s32 $0x800, s1;
	s19 =	smov.u32 s6;
	s21 =	rddreg [dreg:$0x10];
	v29 =	vld.idx.msk [tilespmem:v16+s7+$0x0], $0xffff  }
0x105: {  	s29 =	sadd.s32 $0x100, s29;
	s14 =	rddreg [dreg:$0x4];
	p1 =	slt.s32 s28, s17;
	v22 =	vld.idx.msk [tilespmem:v22+s7+$0x0], $0xffff  }
0x106: {  	s18 =	sadd.s32 s13, s31;
	s3 =	sadd.s32 s1, s3;
	[dreg:$0x13] =	wrdreg s19;
	[tilespmem:s2+$0x0] =	vst.add.f32.msk $0xffff, v19  }
0x107: {  	s9 =	sadd.s32 $0xFFFFFF80, s29;
	s19 =	rddreg [dreg:$0xa];
	s20 =	sand.u32 $0xFFFFE000, s3;
	v20 =	vadd.s32 s23, v6;
	v19 =	vld.idx.msk [tilespmem:v23+s7+$0x0], $0xffff  }
0x108: {  	v30 =	vadd.s32 s15, v7;
	s3 =	sadd.s32 $0x400, s3;
	s5 =	sand.u32 $0x380, s9;
	s0 =	sadd.s32 s30, s18;
	v16 =	vmov v20;
	v20 =	vld.idx.msk [tilespmem:v26+s7+$0x0], $0xffff  }
0x109: {  	s6 =	sadd.s32 $0xE000, s20;
	s3 =	sand.u32 $0xFFFFE000, s3;
	s0 =	sadd.s32 s11, s0;
	[tilespmem:s25+$0x0] =	vst.add.f32.msk $0xffff, v29  }
0x10a: {  	s20 =	rddreg [dreg:$0x15];
	s22 =	sadd.s32 s21, s6;
	s18 =	sadd.s32 $0xE000, s3;
	[tilespmem:s0+$0x0] =	vst.add.f32.msk $0xffff, v22  }
0x10b: {  	v24 =	vadd.s32 s23, v2;
	s3 =	sand.u32 $0x380, s29;
	s12 =	sadd.s32 s20, s31;
	s8 =	sadd.s32 s21, s18;
	v59 =	vld.idx.msk [tilespmem:v14+s7+$0x0], $0xffff  }
0x10c: {  	s2 =	rddreg [dreg:$0xc];
	s17 =	sadd.s32 s30, s12;
	s8 =	sadd.s32 s3, s8;
	v22 =	vadd.s32 s24, v2;
	v61 =	vld.idx.msk [tilespmem:v11+s7+$0x0], $0xffff  }
0x10d: {  	s12 =	rddreg [dreg:$0x6];
	s8 =	sadd.s32 s2, s8;
	s0 =	sadd.s32 s5, s22;
	v23 =	vld.idx.msk [tilespmem:v30+s7+$0x0], $0xffff  }
0x10e: {  	v60 =	vadd.s32 s15, v8;
	s10 =	sadd.s32 s14, s6;
	s21 =	rddreg [dreg:$0xf];
	s0 =	sadd.s32 s2, s0;
	[tilespmem:s8+$0x0] =	vst.add.f32.msk $0xffff, v20  }
0x10f: {  	s20 =	sadd.s32 s20, s6;
	s4 =	sadd.s32 s5, s10;
	s10 =	rddreg [dreg:$0x8];
	[tilespmem:s0+$0x0] =	vst.add.f32.msk $0xffff, v19  }
0x110: {  	s25 =	sadd.s32 s10, s6;
	s8 =	sadd.s32 s21, s17;
	s17 =	sadd.s32 s13, s6;
	v19 =	vld.idx.msk [tilespmem:v24+s7+$0x0], $0xffff  }
0x111: {  	v25 =	vadd.s32 s23, v4;
	s25 =	sadd.s32 s5, s25;
	s13 =	rddreg [dreg:$0x7];
	s17 =	sadd.s32 s5, s17;
	v20 =	vld.idx.msk [tilespmem:v22+s7+$0x0], $0xffff  }
0x112: {  	v21 =	vadd.s32 s23, v10;
	s0 =	sadd.s32 s13, s25;
	s25 =	sadd.s32 s11, s17;
	s17 =	sadd.s32 s14, s18;
	[tilespmem:s8+$0x0] =	vst.add.f32.msk $0xffff, v23  }
0x113: {  	v11 =	vmov v15;
	v15 =	vmov v21;
	v21 =	vadd.s32 s24, v4;
	s8 =	sadd.s32 s3, s17;
	s17 =	sadd.s32 s5, s20;
	s20 =	rddreg [dreg:$0x18];
	v22 =	vld.idx.msk [tilespmem:v60+s7+$0x0], $0xffff  }
0x114: {  	s9 =	sadd.s32 s19, s4;
	s22 =	sadd.s32 s12, s6;
	s11 =	rddreg [dreg:$0x16];
	[tilespmem:s20+$0x0] =	vst.add.f32.msk $0xffff, v59  }
0x115: {  	s4 =	sadd.s32 s5, s22;
	s22 =	rddreg [dreg:$0x5];
	s14 =	sadd.s32 s11, s6;
	v23 =	vadd.s32 s15, v9;
	[tilespmem:s9+$0x0] =	vst.add.f32.msk $0xffff, v19  }
0x116: {  	s8 =	sadd.s32 s19, s8;
	s20 =	sadd.s32 s11, s31;
	s11 =	rddreg [dreg:$0x12];
	v19 =	vld.idx.msk [tilespmem:v25+s7+$0x0], $0xffff  }
0x117: {  	s17 =	sadd.s32 s21, s17;
	s19 =	sadd.s32 s30, s20;
	s20 =	rddreg [dreg:$0xd];
	[tilespmem:s8+$0x0] =	vst.add.f32.msk $0xffff, v20  }
0x118: {  	[dreg:$0x18] =	wrdreg s17;
	s21 =	sadd.s32 s11, s6;
	s8 =	sadd.s32 s20, s19;
	v20 =	vld.idx.msk [tilespmem:v21+s7+$0x0], $0xffff  }
0x119: {  	s14 =	sadd.s32 s5, s14;
	s17 =	sadd.s32 s5, s21;
	s21 =	rddreg [dreg:$0x11];
	[tilespmem:s8+$0x0] =	vst.add.f32.msk $0xffff, v22  }
0x11a: {  	s9 =	sadd.s32 s12, s18;
	s14 =	sadd.s32 s20, s14;
	s20 =	rddreg [dreg:$0xe];
	v21 =	vld.idx.msk [tilespmem:v23+s7+$0x0], $0xffff  }
0x11b: {  	v62 =	vld.idx.msk [tilespmem:v13+s7+$0x0], $0xffff;
	s19 =	sadd.s32 s21, s6;
	s6 =	sadd.s32 s20, s17;
	s17 =	rddreg [dreg:$0x17];
	v22 =	vadd.s32 s15, v10  }
0x11c: {  	v18 =	vadd.s32 s23, v5;
	s4 =	sadd.s32 s22, s4;
	s12 =	sadd.s32 s11, s31;
	s8 =	sadd.s32 s3, s9;
	[tilespmem:s17+$0x0] =	vst.add.f32.msk $0xffff, v61  }
0x11d: {  	s15 =	smov.u32 s24;
	s9 =	sadd.s32 s30, s12;
	s8 =	sadd.s32 s22, s8;
	[tilespmem:s4+$0x0] =	vst.add.f32.msk $0xffff, v19  }
0x11e: {  	v23 =	vadd.s32 s15, v5;
	s20 =	sadd.s32 s20, s9;
	[tilespmem:s8+$0x0] =	vst.add.f32.msk $0xffff, v20  }
0x11f: {  	[tilespmem:s20+$0x0] =	vst.add.f32.msk $0xffff, v21  }
0x120: {  	v27 =	vadd.s32 s23, v7;
	v28 =	vadd.s32 s23, v8;
	v17 =	vadd.s32 s23, v9;
	s23 =	sadd.s32 $0x140, s23;
	v63 =	vld.idx.msk [tilespmem:v22+s7+$0x0], $0xffff  }
.Ltmp9:
0x121: {  	s21 =	sadd.s32 s21, s31;
	s5 =	sadd.s32 s5, s19;
	v21 =	vld.idx.msk [tilespmem:v18+s7+$0x0], $0xffff;
	(pc) =	sbr.rel @p1 .LBB2_15-.Ltmp9, $4  }
0x122: {  	s31 =	smov.u32 s18;
	s19 =	smov.u32 s16;
	s5 =	sadd.s32 s2, s5;
	[tilespmem:s26+$0x0] =	vst.add.f32.msk $0xffff, v62  }
0x123: {  	s22 =	sadd.s32 s10, s31;
	s4 =	sadd.s32 s30, s21;
	s30 =	smov.u32 s3;
	v20 =	vld.idx.msk [tilespmem:v23+s7+$0x0], $0xffff  }
0x124: {  	[dreg:$0x17] =	wrdreg s19;
	s3 =	sadd.s32 s30, s22;
	s24 =	sadd.s32 s2, s4;
	v19 =	vld.idx.msk [tilespmem:v12+s7+$0x0], $0xffff  }
0x125: {  	v14 =	vmovc v27;
	v13 =	vmov v28;
	s16 =	smov.u32 s5;
	s4 =	sadd.s32 s13, s3;
	s26 =	smov.u32 s14;
	v22 =	vadd.s32 s15, v6;
	v12 =	vmov v17;
	[tilespmem:s24+$0x0] =	vst.add.f32.msk $0xffff, v63  }
0x126: {  	s23 =	rddreg [dreg:$0x9]  }
0x127: {  	s10 =	rddreg [dreg:$0x16]  }
0x128: {  	s13 =	rddreg [dreg:$0x15]  }
0x129: {  	s18 =	rddreg [dreg:$0x12]  }
0x12a: {  	s5 =	rddreg [dreg:$0x11]  }
0x12b: {  	s22 =	rddreg [dreg:$0x10]  }
0x12c: {  	s24 =	rddreg [dreg:$0xa]  }
0x12d: {  	s3 =	rddreg [dreg:$0x13]  }
0x12e: {  	s1 =	rddreg [dreg:$0x17]  }
0x12f: {  	[dreg:$0x13] =	wrdreg s6  }
0x130: {  	s11 =	smov.u32 s31;
	s31 =	sld [smem:$0x7F1]  }
0x131: {  	s17 =	sld [smem:$0x7F0]  }
0x132: {  	s19 =	sld [smem:$0x7EF]  }
0x133: {  	s14 =	sld [smem:$0x7EE]  }
0x134: {  	s8 =	sld [smem:$0x7ED]  }
0x135: {  	s9 =	sld [smem:$0x7EC]  }
0x136: {  	s12 =	smov.u32 s30;
	s30 =	rddreg [dreg:$0xe]  }
0x137: {  	s6 =	rddreg [dreg:$0xd]  }
0x138: {  	s29 =	rddreg [dreg:$0xf]  }
0x139: {  	s21 =	rddreg [dreg:$0xb]  }
0x13a: {  	v18 =	vmov v11;
	s28 =	smov.u32 s15;
	v11 =	vmov v15;
	v17 =	vmov v12;
	s20 =	rddreg [dreg:$0x18]  }
.LBB2_17:
0x13b: {  	_ =	sdelay $0x2  }
0x13c: {  	[tilespmem:s4+$0x0] =	vst.add.f32.msk $0xffff, v20;
	s2 =	simm.s32 $0x0  }
0x13d: {  	v12 =	vld.idx.msk [tilespmem:v22+s2+$0x0], $0xffff  }
0x13e: {  	[tilespmem:s0+$0x0] =	vst.add.f32.msk $0xffff, v21;
	v15 =	vadd.s32 s28, v7  }
0x13f: {  	s15 =	sadd.s32 s23, s11;
	v16 =	vld.idx.msk [tilespmem:v16+s2+$0x0], $0xffff  }
0x140: {  	s0 =	sadd.s32 s12, s15  }
0x141: {  	s0 =	sadd.s32 s21, s0  }
0x142: {  	[tilespmem:s0+$0x0] =	vst.add.f32.msk $0xffff, v12  }
0x143: {  	v12 =	vld.idx.msk [tilespmem:v15+s2+$0x0], $0xffff  }
0x144: {  	v61 =	vadd.s32 s28, v8;
	[tilespmem:s25+$0x0] =	vst.add.f32.msk $0xffff, v16  }
0x145: {  	s23 =	sadd.s32 s13, s11;
	v14 =	vld.idx.msk [tilespmem:v14+s2+$0x0], $0xffff  }
0x146: {  	s0 =	sadd.s32 s12, s23  }
0x147: {  	s0 =	sadd.s32 s29, s0  }
0x148: {  	[tilespmem:s0+$0x0] =	vst.add.f32.msk $0xffff, v12  }
0x149: {  	v12 =	vld.idx.msk [tilespmem:v61+s2+$0x0], $0xffff  }
0x14a: {  	v62 =	vadd.s32 s28, v9;
	[tilespmem:s20+$0x0] =	vst.add.f32.msk $0xffff, v14  }
0x14b: {  	s25 =	sadd.s32 s10, s11;
	v13 =	vld.idx.msk [tilespmem:v13+s2+$0x0], $0xffff  }
0x14c: {  	s0 =	sadd.s32 s12, s25  }
0x14d: {  	s0 =	sadd.s32 s6, s0  }
0x14e: {  	[tilespmem:s0+$0x0] =	vst.add.f32.msk $0xffff, v12  }
0x14f: {  	v12 =	vld.idx.msk [tilespmem:v62+s2+$0x0], $0xffff  }
0x150: {  	v63 =	vadd.s32 s28, v10;
	[tilespmem:s26+$0x0] =	vst.add.f32.msk $0xffff, v13  }
0x151: {  	s26 =	sadd.s32 s18, s11;
	v13 =	vld.idx.msk [tilespmem:v17+s2+$0x0], $0xffff  }
0x152: {  	[tilespmem:s3+$0x0] =	vst.add.f32.msk @p0 $0xffff, v19;
	s0 =	sadd.s32 s12, s26  }
0x153: {  	v15 =	vld.idx.msk @p0 [tilespmem:v18+s2+$0x0], $0xffff;
	s0 =	sadd.s32 s30, s0  }
0x154: {  	s2 =	simm.s32 $0x0;
	[tilespmem:s0+$0x0] =	vst.add.f32.msk $0xffff, v12  }
0x155: {  	v12 =	vld.idx.msk [tilespmem:v63+s2+$0x0], $0xffff;
	s0 =	rddreg [dreg:$0x13]  }
0x156: {  	[tilespmem:s0+$0x0] =	vst.add.f32.msk $0xffff, v13  }
0x157: {  	v11 =	vld.idx.msk [tilespmem:v11+s2+$0x0], $0xffff  }
0x158: {  	s30 =	sadd.s32 s5, s11;
	[tilespmem:s1+$0x0] =	vst.add.f32.msk @p0 $0xffff, v15  }
0x159: {  	s0 =	sadd.s32 s12, s30;
	s11 =	rddreg [dreg:$0xc]  }
0x15a: {  	s0 =	sadd.s32 s11, s0  }
0x15b: {  	[tilespmem:s0+$0x0] =	vst.add.f32.msk $0xffff, v12  }
0x15c: {  	[tilespmem:s16+$0x0] =	vst.add.f32.msk $0xffff, v11  }
0x15d: {  	s23 =	sld [smem:$0x7F7]  }
0x15e: {  	s10 =	sld [smem:$0x7F6]  }
0x15f: {  	s12 =	sld [smem:$0x7F5]  }
0x160: {  	s15 =	sld [smem:$0x7F4]  }
0x161: {  	s26 =	rddreg [dreg:$0x14]  }
0x162: {  	s28 =	rddreg [dreg:$0x1c]  }
0x163: {  	s25 =	smov.u32 s22;
	s29 =	rddreg [dreg:$0x1d]  }
.LBB2_7:
0x164: {  	p0 =	sge.s32 s26, s10  }
.Ltmp10:
0x165: {  	_ = 	snop;
	(pc) =	sbr.rel @p0 .LBB2_10-.Ltmp10, $1  }
0x166: {  	_ =	sdelay $0x3  }
0x167: {  	s0 =	ssub.s32 s12, s15;
	s1 =	sand.u32 $0xFFFFFC00, s9  }
0x168: {  	s4 =	sshll.u32 s8, $0x3;
	s3 =	sand.u32 $0x70, s8;
	s6 =	sadd.s32 $0x30, s14  }
0x169: {  	s7 =	sadd.s32 $0x40, s14;
	s22 =	sadd.s32 $0x50, s14;
	s15 =	sld [smem:$0x7FA]  }
0x16a: {  	s26 =	sadd.s32 $0x60, s14;
	s16 =	sadd.s32 $0x70, s14;
	s30 =	sld [smem:$0x7FC]  }
0x16b: {  	s4 =	sand.u32 $0xFFFFFC00, s4;
	s5 =	sand.u32 $0x70, s6;
	s6 =	sshll.u32 s6, $0x3  }
0x16c: {  	s21 =	sshll.u32 s7, $0x3;
	s7 =	sand.u32 $0x70, s7;
	s10 =	sshll.u32 s22, $0x3  }
0x16d: {  	s9 =	sand.u32 $0x70, s22;
	s12 =	sshll.u32 s26, $0x3;
	s14 =	sshll.u32 s16, $0x3  }
0x16e: {  	s22 =	sand.u32 $0x70, s16;
	s18 =	sshll.u32 s0, $0x7;
	p0 =	slt.s32 s15, s19  }
0x16f: {  	s6 =	sand.u32 $0xFFFFFC00, s6;
	s8 =	sand.u32 $0xFFFFFC00, s21;
	s19 =	smov.u32 @p0 s15  }
0x170: {  	s13 =	sand.u32 $0xFFFFFC00, s10;
	s10 =	sand.u32 $0x70, s26;
	s17 =	ssub.s32 s19, s17  }
0x171: {  	s12 =	sand.u32 $0xFFFFFC00, s12;
	s16 =	sadd.s32 s19, s30;
	s17 =	ssub.s32 s17, s0  }
0x172: {  	s15 =	sshll.u32 s19, $0x7;
	s16 =	ssub.s32 s16, s0;
	s17 =	smul.u32 $0xA0, s17  }
0x173: {  	s14 =	sand.u32 $0xFFFFFC00, s14;
	s15 =	ssub.s32 s15, s18;
	s16 =	sshll.u32 s16, $0xA  }
.LBB2_9:
0x174: {  	v11 =	vadd.s32 s17, v3;
	_ =	sdelay $0x4  }
0x175: {  	s18 =	sand.u32 $0xFFFFE000, s16;
	v11 =	vld.idx.msk [tilespmem:v11+s2+$0x0], $0xffff  }
0x176: {  	v12 =	vadd.s32 s17, v2;
	s18 =	sadd.s32 $0xE000, s18  }
0x177: {  	s19 =	sadd.s32 s25, s18  }
0x178: {  	s20 =	sand.u32 $0x380, s15;
	s19 =	sadd.s32 s11, s19  }
0x179: {  	s19 =	sadd.s32 s20, s19  }
0x17a: {  	[tilespmem:s19+$0x0] =	vst.add.f32.msk $0xffff, v11  }
0x17b: {  	v11 =	vld.idx.msk [tilespmem:v12+s2+$0x0], $0xffff  }
0x17c: {  	v57 =	vadd.s32 s17, v4  }
0x17d: {  	s21 =	sadd.s32 s1, s18  }
0x17e: {  	s21 =	sadd.s32 s24, s21  }
0x17f: {  	s21 =	sadd.s32 s20, s21  }
0x180: {  	[tilespmem:s21+$0x0] =	vst.add.f32.msk $0xffff, v11  }
0x181: {  	v11 =	vld.idx.msk [tilespmem:v57+s2+$0x0], $0xffff  }
0x182: {  	v58 =	vadd.s32 s17, v5  }
0x183: {  	s30 =	sadd.s32 s4, s18  }
0x184: {  	s21 =	sadd.s32 s3, s30  }
0x185: {  	s21 =	sadd.s32 s20, s21  }
0x186: {  	[tilespmem:s21+$0x0] =	vst.add.f32.msk $0xffff, v11  }
0x187: {  	v11 =	vld.idx.msk [tilespmem:v58+s2+$0x0], $0xffff  }
0x188: {  	v59 =	vadd.s32 s17, v6  }
0x189: {  	s26 =	sadd.s32 s6, s18  }
0x18a: {  	s21 =	sadd.s32 s5, s26  }
0x18b: {  	s21 =	sadd.s32 s20, s21  }
0x18c: {  	[tilespmem:s21+$0x0] =	vst.add.f32.msk $0xffff, v11  }
0x18d: {  	v11 =	vld.idx.msk [tilespmem:v59+s2+$0x0], $0xffff  }
0x18e: {  	v60 =	vadd.s32 s17, v7  }
0x18f: {  	s30 =	sadd.s32 s8, s18  }
0x190: {  	s21 =	sadd.s32 s7, s30  }
0x191: {  	s21 =	sadd.s32 s20, s21  }
0x192: {  	[tilespmem:s21+$0x0] =	vst.add.f32.msk $0xffff, v11  }
0x193: {  	v11 =	vld.idx.msk [tilespmem:v60+s2+$0x0], $0xffff  }
0x194: {  	v61 =	vadd.s32 s17, v8  }
0x195: {  	s26 =	sadd.s32 s13, s18  }
0x196: {  	s21 =	sadd.s32 s9, s26  }
0x197: {  	s21 =	sadd.s32 s20, s21  }
0x198: {  	[tilespmem:s21+$0x0] =	vst.add.f32.msk $0xffff, v11  }
0x199: {  	v11 =	vld.idx.msk [tilespmem:v61+s2+$0x0], $0xffff  }
0x19a: {  	v62 =	vadd.s32 s17, v9  }
0x19b: {  	s30 =	sadd.s32 s12, s18  }
0x19c: {  	s21 =	sadd.s32 s10, s30  }
0x19d: {  	s21 =	sadd.s32 s20, s21  }
0x19e: {  	[tilespmem:s21+$0x0] =	vst.add.f32.msk $0xffff, v11  }
0x19f: {  	v11 =	vld.idx.msk [tilespmem:v62+s2+$0x0], $0xffff  }
0x1a0: {  	v63 =	vadd.s32 s17, v10  }
0x1a1: {  	s18 =	sadd.s32 s14, s18  }
0x1a2: {  	s18 =	sadd.s32 s22, s18  }
0x1a3: {  	s18 =	sadd.s32 s20, s18  }
0x1a4: {  	[tilespmem:s18+$0x0] =	vst.add.f32.msk $0xffff, v11  }
0x1a5: {  	p0 =	sne.s32 s0, $0x1;
	v11 =	vld.idx.msk [tilespmem:v63+s2+$0x0], $0xffff  }
.Ltmp11:
0x1a6: {  	_ = 	snop;
	(pc) =	sbr.rel @p0 .LBB2_9-.Ltmp11, $3  }
0x1a7: {  	_ =	sdelay $0x1  }
0x1a8: {  	s15 =	sadd.s32 $0x80, s15  }
0x1a9: {  	s16 =	sadd.s32 $0x400, s16;
	s17 =	sadd.s32 $0xA0, s17;
	s0 =	sadd.s32 $0xFFFFFFFF, s0;
	[tilespmem:s19+$0x400] =	vst.add.f32.msk $0xffff, v11  }
.Ltmp12:
0x1aa: {  	_ = 	snop;
	(pc) =	sbr.rel .LBB2_10-.Ltmp12, $1  }
0x1ab: {  	_ =	sdelay $0x3  }
.LBB2_6:
0x1ac: {  	s23 =	rddreg [dreg:$0x9]  }
0x1ad: {  	s10 =	rddreg [dreg:$0x16]  }
.Ltmp13:
0x1ae: {  	s13 =	rddreg [dreg:$0x15];
	(pc) =	sbr.rel .LBB2_17-.Ltmp13, $4  }
0x1af: {  	s18 =	rddreg [dreg:$0x12]  }
0x1b0: {  	s5 =	rddreg [dreg:$0x11]  }
0x1b1: {  	s22 =	rddreg [dreg:$0x10]  }
0x1b2: {  	s24 =	rddreg [dreg:$0xa]  }
.LBB2_14:
0x1b3: {  	s23 =	rddreg [dreg:$0x9]  }
0x1b4: {  	s10 =	rddreg [dreg:$0x16]  }
0x1b5: {  	s13 =	rddreg [dreg:$0x15]  }
0x1b6: {  	s18 =	rddreg [dreg:$0x12]  }
0x1b7: {  	s5 =	rddreg [dreg:$0x11]  }
0x1b8: {  	s22 =	rddreg [dreg:$0x10]  }
0x1b9: {  	s24 =	rddreg [dreg:$0xa]  }
0x1ba: {  	s3 =	rddreg [dreg:$0x13]  }
0x1bb: {  	s1 =	rddreg [dreg:$0x17]  }
0x1bc: {  	[dreg:$0x13] =	wrdreg s6  }
0x1bd: {  	s11 =	smov.u32 s31;
	s31 =	sld [smem:$0x7F1]  }
0x1be: {  	s17 =	sld [smem:$0x7F0]  }
0x1bf: {  	s19 =	sld [smem:$0x7EF]  }
0x1c0: {  	s14 =	sld [smem:$0x7EE]  }
0x1c1: {  	s8 =	sld [smem:$0x7ED]  }
0x1c2: {  	s9 =	sld [smem:$0x7EC]  }
.Ltmp14:
0x1c3: {  	s12 =	smov.u32 s30;
	s30 =	rddreg [dreg:$0xe];
	(pc) =	sbr.rel .LBB2_17-.Ltmp14, $4  }
0x1c4: {  	s6 =	rddreg [dreg:$0xd]  }
0x1c5: {  	s29 =	rddreg [dreg:$0xf]  }
0x1c6: {  	s21 =	rddreg [dreg:$0xb]  }
0x1c7: {  	v18 =	vmov v11;
	s28 =	smov.u32 s15;
	v11 =	vmov v15;
	v17 =	vmov v12;
	s20 =	rddreg [dreg:$0x18]  }
.LBB2_12:
0x1c8: {  	_ =	sfence.sel $0x180000  }
0x1c9: {  	[bflag:$0x0] =	sbarrier.arrive $0xFFFF  }
0x1ca: {  	_ =	strace $0x90000047  }
0x1cb: {  	s0 =	stileid.u32;
	[bflag:$0x2] =	sbarrier.arrive $0xFFFF  }
0x1cc: {  	p0 =	sne.s32 s0, $0x0;
	s0 =	rddreg [dreg:$0x2]  }
0x1cd: {  	s0 =	sadd.s32 @!p0 $0x100000, s0  }
0x1ce: {  	[sflag:s0] =	ssyncadd.tile.s32 @!p0 $0x1;
	_ =	shalt  }
.Lfunc_end2:
_tile_overlayer_lowered:
.L_overlay_start_2:
0x1cf: {  	(tag) =	ssettag $0x2  }
0x1d0: {  	s0 =	rddreg [dreg:$0x0];
	s2 =	stileid.u32  }
0x1d1: {  	s1 =	rddreg [dreg:$0x1];
	p0 =	sne.s32 s2, $0x0  }
0x1d2: {  	s3 =	rddreg [dreg:$0x2];
	[bflag:$0x3] =	sbarrier.arrive $0xFFFF;
	s2 =	simm.s32 @!p0 $0x1C01  }
0x1d3: {  	[timem:s3], [sflag:s2] =	dma.local @!p0 [hbm:s0], s1  }
0x1d4: {  	s0 =	simm.s32 @!p0 $0x1  }
0x1d5: {  	_ =	swait.ge @!p0 [sflag:s0], s1  }
0x1d6: {  	s1 =	ssub.s32 @!p0 $0x0, s1;
	[sflag:s0] =	ssyncset.done @!p0 $0x0  }
0x1d7: {  	[sflag:s0] =	ssyncadd.s32 @!p0 s1  }
0x1d8: {  	[bflag:$0x3] =	sbarrier.arrive $0xFFFF  }
0x1d9: {  	_ =	shalt  }

</sc_bundles>
